<compile_context>
chip_gen: v7x
topology: tpu7x:2x2x1
jax: 0.10.2.dev20260603
libtpu: 0.0.44.dev20260713+nightly
codegen_flags: <defaults>
</compile_context>

<pallas_src>
import functools

import jax
import jax.numpy as jnp
from jax import lax
from jax.experimental import pallas as pl
from jax.experimental.pallas import tpu as pltpu
from jax.experimental.pallas import tpu_sc as plsc

N = 10000
E = 320000
D = 128
NP = 10240
NC = 2
NS = 16
NW = NC * NS
CH = 128
CPW = 80
IG = 16
NGRP = CPW // IG
EPW = CH * CPW
EPAD = NW * EPW
RB = 512
GRID = NP // RB
ZPT = NP // NS


def _dinv_col(dh_blk):
    ones32 = jnp.ones((NW, 1), jnp.float32)
    deg = lax.dot_general(dh_blk, ones32, (((0,), (0,)), ((), ())),
                          preferred_element_type=jnp.float32) + 1.0
    return lax.rsqrt(deg)


def _k1_body(x_ref, dh_ref, w0_ref, wih_ref, whh_ref, bih_ref, bhh_ref,
             y_ref, w_s):
    @pl.when(pl.program_id(0) == 0)
    def _():
        w0 = w0_ref[...]
        dn = (((1,), (1,)), ((), ()))
        gi = lax.dot_general(w0, wih_ref[...], dn,
                             preferred_element_type=jnp.float32) + bih_ref[...]
        gh = lax.dot_general(w0, whh_ref[...], dn,
                             preferred_element_type=jnp.float32) + bhh_ref[...]
        r = jax.nn.sigmoid(gi[:, :D] + gh[:, :D])
        z = jax.nn.sigmoid(gi[:, D:2 * D] + gh[:, D:2 * D])
        n = jnp.tanh(gi[:, 2 * D:] + r * gh[:, 2 * D:])
        w_s[...] = (1.0 - z) * n + z * w0

    xw = jnp.dot(x_ref[...], w_s[...], preferred_element_type=jnp.float32)
    y_ref[...] = xw * _dinv_col(dh_ref[...])


def _scale(x_pad, deghist, w0, wih, whh, bih, bhh):
    return pl.pallas_call(
        _k1_body,
        grid=(GRID,),
        in_specs=[
            pl.BlockSpec((RB, D), lambda i: (i, 0)),
            pl.BlockSpec((NW, RB), lambda i: (0, i)),
            pl.BlockSpec((D, D), lambda i: (0, 0)),
            pl.BlockSpec((3 * D, D), lambda i: (0, 0)),
            pl.BlockSpec((3 * D, D), lambda i: (0, 0)),
            pl.BlockSpec((1, 3 * D), lambda i: (0, 0)),
            pl.BlockSpec((1, 3 * D), lambda i: (0, 0)),
        ],
        out_specs=pl.BlockSpec((RB, D), lambda i: (i, 0)),
        out_shape=jax.ShapeDtypeStruct((NP, D), jnp.float32),
        scratch_shapes=[pltpu.VMEM((D, D), jnp.float32)],
    )(x_pad, deghist, w0, wih, whh, bih, bhh)


def _deg_body(dst_hbm, out_hbm, dst_all, hist):
    c = lax.axis_index("c")
    s = lax.axis_index("s")
    wid = c * NS + s

    def z(i, carry):
        hist[pl.ds(i * 16, 16)] = jnp.zeros((16,), jnp.float32)
        return carry

    lax.fori_loop(0, NP // 16, z, 0)
    pltpu.sync_copy(dst_hbm.at[pl.ds(wid * EPW, EPW)], dst_all)

    def step(e, carry):
        idx = dst_all[pl.ds(e * 16, 16)]
        plsc.addupdate_scatter(hist, [idx],
                               jnp.full((16,), 1.0, jnp.float32))
        return carry

    lax.fori_loop(0, EPW // 16, step, 0)
    pltpu.sync_copy(hist, out_hbm.at[wid])


def _degrees(dst1d):
    mesh = plsc.VectorSubcoreMesh(core_axis_name="c", subcore_axis_name="s")
    f = pl.kernel(
        _deg_body,
        out_type=jax.ShapeDtypeStruct((NW, NP), jnp.float32),
        mesh=mesh,
        scratch_types=[
            pltpu.VMEM((EPW,), jnp.int32),
            pltpu.VMEM((NP,), jnp.float32),
        ],
        compiler_params=pltpu.CompilerParams(needs_layout_passes=False),
    )
    return f(dst1d)


def _edge_pass(y, src2d, dst2d, zeros_rows):
    mesh = plsc.VectorSubcoreMesh(core_axis_name="c", subcore_axis_name="s")

    def body(y_hbm, src_hbm, dst_hbm, zero_hbm, out_hbm,
             src_v, dst0, dst1, rows0, rows1, acc_sh,
             semg0, semg1, semd0, semd1, sems0, sems1):
        c = lax.axis_index("c")
        s = lax.axis_index("s")
        wid = c * NS + s
        base = wid * CPW
        pltpu.sync_copy(zero_hbm.at[pl.ds(s * ZPT, ZPT)],
                        acc_sh.at[pl.ds(s * ZPT, ZPT)])
        pltpu.sync_copy(src_hbm.at[pl.ds(base, CPW)], src_v)
        plsc.subcore_barrier()

        pltpu.async_copy(dst_hbm.at[base], dst0, semd0)
        pltpu.async_copy(dst_hbm.at[base + 1], dst1, semd1)
        pltpu.async_copy(y_hbm.at[src_v.at[0]], rows0, semg0)
        pltpu.async_copy(y_hbm.at[src_v.at[1]], rows1, semg1)

        def step(i, carry):
            j0 = 2 * i
            j1 = j0 + 1
            more = i + 1 < CPW // 2
            pltpu.make_async_copy(y_hbm.at[src_v.at[j0]], rows0, semg0).wait()
            pltpu.make_async_copy(dst_hbm.at[base + j0], dst0, semd0).wait()
            pltpu.async_copy(rows0, acc_sh.at[dst0], sems0, add=True)

            pltpu.make_async_copy(y_hbm.at[src_v.at[j1]], rows1, semg1).wait()
            pltpu.make_async_copy(dst_hbm.at[base + j1], dst1, semd1).wait()
            pltpu.async_copy(rows1, acc_sh.at[dst1], sems1, add=True)

            pltpu.make_async_copy(rows0, acc_sh.at[dst0], sems0).wait()

            @pl.when(more)
            def _():
                pltpu.async_copy(dst_hbm.at[base + j0 + 2], dst0, semd0)
                pltpu.async_copy(y_hbm.at[src_v.at[j0 + 2]], rows0, semg0)

            pltpu.make_async_copy(rows1, acc_sh.at[dst1], sems1).wait()

            @pl.when(more)
            def _():
                pltpu.async_copy(dst_hbm.at[base + j1 + 2], dst1, semd1)
                pltpu.async_copy(y_hbm.at[src_v.at[j1 + 2]], rows1, semg1)

            return carry

        lax.fori_loop(0, CPW // 2, step, 0)
        plsc.subcore_barrier()
        pltpu.sync_copy(acc_sh.at[pl.ds(s * ZPT, ZPT)],
                        out_hbm.at[pl.ds(c * NP + s * ZPT, ZPT)])

    f = pl.kernel(
        body,
        out_type=jax.ShapeDtypeStruct((NC * NP, D), jnp.float32),
        mesh=mesh,
        scratch_types=[
            pltpu.VMEM((CPW, CH), jnp.int32),
            pltpu.VMEM((CH,), jnp.int32),
            pltpu.VMEM((CH,), jnp.int32),
            pltpu.VMEM((CH, D), jnp.float32),
            pltpu.VMEM((CH, D), jnp.float32),
            pltpu.VMEM_SHARED((NP, D), jnp.float32),
            pltpu.SemaphoreType.DMA,
            pltpu.SemaphoreType.DMA,
            pltpu.SemaphoreType.DMA,
            pltpu.SemaphoreType.DMA,
            pltpu.SemaphoreType.DMA,
            pltpu.SemaphoreType.DMA,
        ],
    )
    return f(y, src2d, dst2d, zeros_rows)


def _k5_body(a0_ref, a1_ref, y_ref, dh_ref, pw_ref, pb_ref, cw_ref,
             cb_ref, out_ref):
    h = (a0_ref[...] + a1_ref[...] + y_ref[...]) * _dinv_col(dh_ref[...])
    dn = (((1,), (1,)), ((), ()))
    t = lax.dot_general(h, pw_ref[...], dn,
                        preferred_element_type=jnp.float32) + pb_ref[...]
    t = jnp.maximum(t, 0.0)
    out_ref[...] = lax.dot_general(t, cw_ref[...], dn,
                                   preferred_element_type=jnp.float32) + cb_ref[...]


def _final(acc, y, deghist, proj_w, proj_b, cls_w_pad, cls_b_pad):
    return pl.pallas_call(
        _k5_body,
        grid=(GRID,),
        in_specs=[
            pl.BlockSpec((RB, D), lambda i: (i, 0)),
            pl.BlockSpec((RB, D), lambda i: (i + GRID, 0)),
            pl.BlockSpec((RB, D), lambda i: (i, 0)),
            pl.BlockSpec((NW, RB), lambda i: (0, i)),
            pl.BlockSpec((D, D), lambda i: (0, 0)),
            pl.BlockSpec((1, D), lambda i: (0, 0)),
            pl.BlockSpec((D, D), lambda i: (0, 0)),
            pl.BlockSpec((1, D), lambda i: (0, 0)),
        ],
        out_specs=pl.BlockSpec((RB, D), lambda i: (i, 0)),
        out_shape=jax.ShapeDtypeStruct((NP, D), jnp.float32),
    )(acc, acc, y, deghist, proj_w, proj_b, cls_w_pad, cls_b_pad)


def kernel(x, edge_index, W0, gru_w_ih, gru_w_hh, gru_b_ih, gru_b_hh,
           proj_w, proj_b, cls_w, cls_b):
    f32 = jnp.float32
    ei = edge_index.astype(jnp.int32)
    pad_e = EPAD - E
    pad_rows = N + (jnp.arange(pad_e, dtype=jnp.int32) % (NP - N))
    src2d = jnp.concatenate([ei[0], pad_rows]).reshape(EPAD // CH, CH)
    dst1d = jnp.concatenate([ei[1], pad_rows])
    dst2d = dst1d.reshape(EPAD // CH, CH)

    x_pad = jnp.pad(x, ((0, NP - N), (0, 0)))
    zeros_rows = jnp.zeros((NP, D), f32)
    bih = gru_b_ih.reshape(1, 3 * D)
    bhh = gru_b_hh.reshape(1, 3 * D)
    pb = proj_b.reshape(1, D)
    nc = cls_b.shape[0]
    cw_pad = jnp.zeros((D, D), f32).at[:nc].set(cls_w)
    cb_pad = jnp.zeros((1, D), f32).at[0, :nc].set(cls_b)

    deghist = _degrees(dst1d)
    y = _scale(x_pad, deghist, W0, gru_w_ih, gru_w_hh, bih, bhh)
    acc = _edge_pass(y, src2d, dst2d, zeros_rows)
    out = _final(acc, y, deghist, proj_w, pb, cw_pad, cb_pad)
    return out[:N, :nc]

# --- scband reference (transcript-rebuilt; emitter-appended) ---
"""Pipeline reference for scband-evolve-gcn-8899172237846 (READ-ONLY COPY).

The authoritative reference and input builder live on the scoring server;
editing this copy changes nothing except your own understanding.
"""

import jax, jax.numpy as jnp
import numpy as np

N = 10000
E = 320000
D = 128   # in_channels
H = 128   # hidden_channels
C = 2     # out_channels


def setup_inputs(seed: int = 0) -> dict:
    key = jax.random.key(seed)
    ks = jax.random.split(key, 12)
    x = jax.random.normal(ks[0], (N, D), dtype=jnp.float32)
    edge_index = jax.random.randint(ks[1], (2, E), 0, N, dtype=jnp.int32).astype(jnp.int64)
    # EvolveGCN-O parameters: initial GCN weight evolved by a 1-step GRU over itself
    W0 = jax.random.normal(ks[2], (D, D), dtype=jnp.float32) * 0.05
    gru_w_ih = jax.random.normal(ks[3], (3 * D, D), dtype=jnp.float32) * 0.05
    gru_w_hh = jax.random.normal(ks[4], (3 * D, D), dtype=jnp.float32) * 0.05
    gru_b_ih = jax.random.normal(ks[5], (3 * D,), dtype=jnp.float32) * 0.01
    gru_b_hh = jax.random.normal(ks[6], (3 * D,), dtype=jnp.float32) * 0.01
    proj_w = jax.random.normal(ks[7], (H, D), dtype=jnp.float32) * 0.05
    proj_b = jnp.zeros((H,), dtype=jnp.float32)
    cls_w = jax.random.normal(ks[8], (C, H), dtype=jnp.float32) * 0.05
    cls_b = jnp.zeros((C,), dtype=jnp.float32)
    return {"x": x, "edge_index": edge_index, "W0": W0,
            "gru_w_ih": gru_w_ih, "gru_w_hh": gru_w_hh,
            "gru_b_ih": gru_b_ih, "gru_b_hh": gru_b_hh,
            "proj_w": proj_w, "proj_b": proj_b,
            "cls_w": cls_w, "cls_b": cls_b}


def _gru_evolve(W0, w_ih, w_hh, b_ih, b_hh):
    # GRU(input=W0, hidden=W0), seq_len=1, batch=D rows, feature=D
    gi = W0 @ w_ih.T + b_ih
    gh = W0 @ w_hh.T + b_hh
    r = jax.nn.sigmoid(gi[:, :D] + gh[:, :D])
    z = jax.nn.sigmoid(gi[:, D:2 * D] + gh[:, D:2 * D])
    n = jnp.tanh(gi[:, 2 * D:] + r * gh[:, 2 * D:])
    return (1.0 - z) * n + z * W0


def reference(x, edge_index, W0, gru_w_ih, gru_w_hh, gru_b_ih, gru_b_hh,
              proj_w, proj_b, cls_w, cls_b):
    # time_step=None path: single EvolveGCN-O step on the full graph
    W = _gru_evolve(W0, gru_w_ih, gru_w_hh, gru_b_ih, gru_b_hh)
    n_nodes = x.shape[0]
    loops = jnp.arange(n_nodes, dtype=edge_index.dtype)
    src = jnp.concatenate([edge_index[0], loops])
    dst = jnp.concatenate([edge_index[1], loops])
    deg = jnp.zeros((n_nodes,), dtype=x.dtype).at[dst].add(1.0)
    dinv = jnp.where(deg > 0, jax.lax.rsqrt(jnp.maximum(deg, 1e-12)), 0.0)
    norm = dinv[src] * dinv[dst]
    xw = x @ W
    h = jnp.zeros_like(xw).at[dst].add(xw[src] * norm[:, None])
    h = jax.nn.relu(h @ proj_w.T + proj_b)
    # dropout is identity in eval mode
    logits = h @ cls_w.T + cls_b
    return logits

if __name__ == "__main__":
    import jax
    _d = setup_inputs()
    print(jax.jit(kernel)(*tuple(_d.values())))

</pallas_src>

<mosaic_0001>
#map = affine_map<(d0, d1) -> (0, 0)>
module attributes {stable_mosaic.version = 14 : i64} {
  func.func @body(%arg0: i32, %arg1: i32, %arg2: memref<10240x128xf32, #tpu.memory_space<hbm>>, %arg3: memref<2560x128xi32, #tpu.memory_space<hbm>>, %arg4: memref<2560x128xi32, #tpu.memory_space<hbm>>, %arg5: memref<10240x128xf32, #tpu.memory_space<hbm>>, %arg6: memref<20480x128xf32, #tpu.memory_space<hbm>>, %arg7: memref<80x128xi32, #tpu.memory_space<vmem>>, %arg8: memref<128xi32, #tpu.memory_space<vmem>>, %arg9: memref<128xi32, #tpu.memory_space<vmem>>, %arg10: memref<128x128xf32, #tpu.memory_space<vmem>>, %arg11: memref<128x128xf32, #tpu.memory_space<vmem>>, %arg12: memref<10240x128xf32, #tpu.memory_space<vmem_shared>>, %arg13: memref<!tpu.dma_semaphore, #tpu.memory_space<semaphore_mem>>, %arg14: memref<!tpu.dma_semaphore, #tpu.memory_space<semaphore_mem>>, %arg15: memref<!tpu.dma_semaphore, #tpu.memory_space<semaphore_mem>>, %arg16: memref<!tpu.dma_semaphore, #tpu.memory_space<semaphore_mem>>, %arg17: memref<!tpu.dma_semaphore, #tpu.memory_space<semaphore_mem>>, %arg18: memref<!tpu.dma_semaphore, #tpu.memory_space<semaphore_mem>>) attributes {dimension_semantics = [#tpu.dimension_semantics<core_parallel>, #tpu.dimension_semantics<subcore_parallel>], iteration_bounds = array<i64: 2, 16>, scalar_prefetch = 0 : i64, scratch_operands = 12 : i64, tpu.core_type = #tpu.core_type<sc_vector_subcore>, window_params = [{transform_indices = #map}, {transform_indices = #map}, {transform_indices = #map}, {transform_indices = #map}, {transform_indices = #map}]} {
    %mul3A = arith.constant 16 : i32
    %mul3A_0 = arith.muli %arg0, %mul3A : i32
    %add3A = arith.addi %mul3A_0, %arg1 : i32
    %mul3A_1 = arith.constant 80 : i32
    %mul3A_2 = arith.muli %add3A, %mul3A_1 : i32
    %mul3A_3 = arith.constant 640 : i32
    %mul3A_4 = arith.muli %arg1, %mul3A_3 : i32
    %mul3A_5 = arith.constant 640 : i32
    %mul3A_6 = arith.muli %arg1, %mul3A_5 : i32
    "tpu.region"() ({
      %run_scoped3A = tpu.sem_alloc : memref<!tpu.dma_semaphore, #tpu.memory_space<semaphore_mem>>
      %dma_start3A_47 = arith.constant 0 : i32
      %dma_start3A_48 = tpu.memref_slice %arg12[%mul3A_6, %dma_start3A_47] : memref<10240x128xf32, #tpu.memory_space<vmem_shared>> -> memref<640x128xf32, #tpu.memory_space<vmem_shared>>
      %dma_start3A_49 = arith.constant 0 : i32
      %dma_start3A_50 = tpu.memref_slice %arg5[%mul3A_4, %dma_start3A_49] : memref<10240x128xf32, #tpu.memory_space<hbm>> -> memref<640x128xf32, #tpu.memory_space<hbm>>
      tpu.enqueue_dma source(%dma_start3A_50 : memref<640x128xf32, #tpu.memory_space<hbm>>) target(%dma_start3A_48 : memref<640x128xf32, #tpu.memory_space<vmem_shared>>) target_semaphore(%run_scoped3A : memref<!tpu.dma_semaphore, #tpu.memory_space<semaphore_mem>>)
      %dma_wait3A = arith.constant 0 : i32
      %dma_wait3A_51 = tpu.memref_slice %arg12[%mul3A_6, %dma_wait3A] : memref<10240x128xf32, #tpu.memory_space<vmem_shared>> -> memref<640x128xf32, #tpu.memory_space<vmem_shared>>
      %dma_wait3A_52 = arith.constant 0 : i32
      %dma_wait3A_53 = tpu.memref_slice %arg5[%mul3A_4, %dma_wait3A_52] : memref<10240x128xf32, #tpu.memory_space<hbm>> -> memref<640x128xf32, #tpu.memory_space<hbm>>
      tpu.wait_dma2 semaphore(%run_scoped3A : memref<!tpu.dma_semaphore, #tpu.memory_space<semaphore_mem>>) src(%dma_wait3A_53 : memref<640x128xf32, #tpu.memory_space<hbm>>) dst(%dma_wait3A_51 : memref<640x128xf32, #tpu.memory_space<vmem_shared>>)
      tpu.yield
    }) : () -> ()
    "tpu.region"() ({
      %run_scoped3A = tpu.sem_alloc : memref<!tpu.dma_semaphore, #tpu.memory_space<semaphore_mem>>
      %dma_start3A_47 = arith.constant 0 : i32
      %dma_start3A_48 = tpu.memref_slice %arg3[%mul3A_2, %dma_start3A_47] : memref<2560x128xi32, #tpu.memory_space<hbm>> -> memref<80x128xi32, #tpu.memory_space<hbm>>
      %dma_start3A_49 = arith.constant 0 : i32
      %dma_start3A_50 = tpu.memref_slice %arg3[%mul3A_2, %dma_start3A_49] : memref<2560x128xi32, #tpu.memory_space<hbm>> -> memref<80x128xi32, #tpu.memory_space<hbm>>
      tpu.enqueue_dma source(%dma_start3A_50 : memref<80x128xi32, #tpu.memory_space<hbm>>) target(%arg7 : memref<80x128xi32, #tpu.memory_space<vmem>>) target_semaphore(%run_scoped3A : memref<!tpu.dma_semaphore, #tpu.memory_space<semaphore_mem>>)
      %dma_wait3A = arith.constant 0 : i32
      %dma_wait3A_51 = tpu.memref_slice %arg3[%mul3A_2, %dma_wait3A] : memref<2560x128xi32, #tpu.memory_space<hbm>> -> memref<80x128xi32, #tpu.memory_space<hbm>>
      %dma_wait3A_52 = arith.constant 0 : i32
      %dma_wait3A_53 = tpu.memref_slice %arg3[%mul3A_2, %dma_wait3A_52] : memref<2560x128xi32, #tpu.memory_space<hbm>> -> memref<80x128xi32, #tpu.memory_space<hbm>>
      tpu.wait_dma2 semaphore(%run_scoped3A : memref<!tpu.dma_semaphore, #tpu.memory_space<semaphore_mem>>) src(%dma_wait3A_53 : memref<80x128xi32, #tpu.memory_space<hbm>>) dst(%arg7 : memref<80x128xi32, #tpu.memory_space<vmem>>)
      tpu.yield
    }) : () -> ()
    %barrier3A = arith.constant 0 : index
    tpu.barrier barrier_id(%barrier3A)
    %dma_start3A = arith.constant 0 : i32
    %dma_start3A_7 = tpu.memref_slice %arg4[%mul3A_2, %dma_start3A] : memref<2560x128xi32, #tpu.memory_space<hbm>> -> memref<1x128xi32, #tpu.memory_space<hbm>>
    %dma_start3A_8 = tpu.memref_squeeze %dma_start3A_7 : memref<1x128xi32, #tpu.memory_space<hbm>> -> memref<128xi32, #tpu.memory_space<hbm>>
    %dma_start3A_9 = arith.constant 0 : i32
    %dma_start3A_10 = tpu.memref_slice %arg4[%mul3A_2, %dma_start3A_9] : memref<2560x128xi32, #tpu.memory_space<hbm>> -> memref<1x128xi32, #tpu.memory_space<hbm>>
    %dma_start3A_11 = tpu.memref_squeeze %dma_start3A_10 : memref<1x128xi32, #tpu.memory_space<hbm>> -> memref<128xi32, #tpu.memory_space<hbm>>
    tpu.enqueue_dma source(%dma_start3A_11 : memref<128xi32, #tpu.memory_space<hbm>>) target(%arg8 : memref<128xi32, #tpu.memory_space<vmem>>) target_semaphore(%arg15 : memref<!tpu.dma_semaphore, #tpu.memory_space<semaphore_mem>>)
    %add3A_12 = arith.constant 1 : i32
    %add3A_13 = arith.addi %mul3A_2, %add3A_12 : i32
    %dma_start3A_14 = arith.constant 0 : i32
    %dma_start3A_15 = tpu.memref_slice %arg4[%add3A_13, %dma_start3A_14] : memref<2560x128xi32, #tpu.memory_space<hbm>> -> memref<1x128xi32, #tpu.memory_space<hbm>>
    %dma_start3A_16 = tpu.memref_squeeze %dma_start3A_15 : memref<1x128xi32, #tpu.memory_space<hbm>> -> memref<128xi32, #tpu.memory_space<hbm>>
    %dma_start3A_17 = arith.constant 0 : i32
    %dma_start3A_18 = tpu.memref_slice %arg4[%add3A_13, %dma_start3A_17] : memref<2560x128xi32, #tpu.memory_space<hbm>> -> memref<1x128xi32, #tpu.memory_space<hbm>>
    %dma_start3A_19 = tpu.memref_squeeze %dma_start3A_18 : memref<1x128xi32, #tpu.memory_space<hbm>> -> memref<128xi32, #tpu.memory_space<hbm>>
    tpu.enqueue_dma source(%dma_start3A_19 : memref<128xi32, #tpu.memory_space<hbm>>) target(%arg9 : memref<128xi32, #tpu.memory_space<vmem>>) target_semaphore(%arg16 : memref<!tpu.dma_semaphore, #tpu.memory_space<semaphore_mem>>)
    %dma_start3A_20 = arith.constant 0 : i32
    %dma_start3A_21 = arith.constant 0 : i32
    %dma_start3A_22 = tpu.memref_slice %arg7[%dma_start3A_20, %dma_start3A_21] : memref<80x128xi32, #tpu.memory_space<vmem>> -> memref<1x128xi32, #tpu.memory_space<vmem>>
    %dma_start3A_23 = tpu.memref_squeeze %dma_start3A_22 : memref<1x128xi32, #tpu.memory_space<vmem>> -> memref<128xi32, #tpu.memory_space<vmem>>
    %dma_start3A_24 = arith.constant 0 : i32
    %dma_start3A_25 = arith.constant 0 : i32
    %dma_start3A_26 = tpu.memref_slice %arg2[%dma_start3A_24, %dma_start3A_25] : memref<10240x128xf32, #tpu.memory_space<hbm>> -> memref<10240x128xf32, #tpu.memory_space<hbm>>
    tpu.enqueue_indirect_dma source(%dma_start3A_26 : memref<10240x128xf32, #tpu.memory_space<hbm>>) target(%arg10 : memref<128x128xf32, #tpu.memory_space<vmem>>) offsets(%dma_start3A_23 : memref<128xi32, #tpu.memory_space<vmem>>) semaphore(%arg13 : memref<!tpu.dma_semaphore, #tpu.memory_space<semaphore_mem>>)
    %dma_start3A_27 = arith.constant 1 : i32
    %dma_start3A_28 = arith.constant 0 : i32
    %dma_start3A_29 = tpu.memref_slice %arg7[%dma_start3A_27, %dma_start3A_28] : memref<80x128xi32, #tpu.memory_space<vmem>> -> memref<1x128xi32, #tpu.memory_space<vmem>>
    %dma_start3A_30 = tpu.memref_squeeze %dma_start3A_29 : memref<1x128xi32, #tpu.memory_space<vmem>> -> memref<128xi32, #tpu.memory_space<vmem>>
    %dma_start3A_31 = arith.constant 0 : i32
    %dma_start3A_32 = arith.constant 0 : i32
    %dma_start3A_33 = tpu.memref_slice %arg2[%dma_start3A_31, %dma_start3A_32] : memref<10240x128xf32, #tpu.memory_space<hbm>> -> memref<10240x128xf32, #tpu.memory_space<hbm>>
    tpu.enqueue_indirect_dma source(%dma_start3A_33 : memref<10240x128xf32, #tpu.memory_space<hbm>>) target(%arg11 : memref<128x128xf32, #tpu.memory_space<vmem>>) offsets(%dma_start3A_30 : memref<128xi32, #tpu.memory_space<vmem>>) semaphore(%arg14 : memref<!tpu.dma_semaphore, #tpu.memory_space<semaphore_mem>>)
    %scan3A = arith.constant 0 : i32
    %scan3A_34 = arith.constant 0 : i32
    %scan3A_35 = arith.constant 40 : i32
    %scan3A_36 = arith.addi %scan3A_34, %scan3A_35 : i32
    %scan3A_37 = arith.constant 1 : i32
    scf.for %scan3A_47 = %scan3A_34 to %scan3A_36 step %scan3A_37  : i32 {
      %mul3A_48 = arith.constant 2 : i32
      %mul3A_49 = arith.muli %mul3A_48, %scan3A_47 : i32
      %add3A_50 = arith.constant 1 : i32
      %add3A_51 = arith.addi %mul3A_49, %add3A_50 : i32
      %add3A_52 = arith.constant 1 : i32
      %add3A_53 = arith.addi %scan3A_47, %add3A_52 : i32
      %lt3A = arith.constant 40 : i32
      %lt3A_54 = arith.cmpi slt, %add3A_53, %lt3A : i32
      %dma_wait3A = arith.constant 0 : i32
      %dma_wait3A_55 = tpu.memref_slice %arg7[%mul3A_49, %dma_wait3A] : memref<80x128xi32, #tpu.memory_space<vmem>> -> memref<1x128xi32, #tpu.memory_space<vmem>>
      %dma_wait3A_56 = tpu.memref_squeeze %dma_wait3A_55 : memref<1x128xi32, #tpu.memory_space<vmem>> -> memref<128xi32, #tpu.memory_space<vmem>>
      %dma_wait3A_57 = arith.constant 0 : i32
      %dma_wait3A_58 = arith.constant 0 : i32
      %dma_wait3A_59 = tpu.memref_slice %arg2[%dma_wait3A_57, %dma_wait3A_58] : memref<10240x128xf32, #tpu.memory_space<hbm>> -> memref<10240x128xf32, #tpu.memory_space<hbm>>
      tpu.wait_indirect_dma semaphore(%arg13 : memref<!tpu.dma_semaphore, #tpu.memory_space<semaphore_mem>>) src(%dma_wait3A_59 : memref<10240x128xf32, #tpu.memory_space<hbm>>) dst(%arg10 : memref<128x128xf32, #tpu.memory_space<vmem>>)
      %add3A_60 = arith.addi %mul3A_2, %mul3A_49 : i32
      %dma_wait3A_61 = arith.constant 0 : i32
      %dma_wait3A_62 = tpu.memref_slice %arg4[%add3A_60, %dma_wait3A_61] : memref<2560x128xi32, #tpu.memory_space<hbm>> -> memref<1x128xi32, #tpu.memory_space<hbm>>
      %dma_wait3A_63 = tpu.memref_squeeze %dma_wait3A_62 : memref<1x128xi32, #tpu.memory_space<hbm>> -> memref<128xi32, #tpu.memory_space<hbm>>
      %dma_wait3A_64 = arith.constant 0 : i32
      %dma_wait3A_65 = tpu.memref_slice %arg4[%add3A_60, %dma_wait3A_64] : memref<2560x128xi32, #tpu.memory_space<hbm>> -> memref<1x128xi32, #tpu.memory_space<hbm>>
      %dma_wait3A_66 = tpu.memref_squeeze %dma_wait3A_65 : memref<1x128xi32, #tpu.memory_space<hbm>> -> memref<128xi32, #tpu.memory_space<hbm>>
      tpu.wait_dma2 semaphore(%arg15 : memref<!tpu.dma_semaphore, #tpu.memory_space<semaphore_mem>>) src(%dma_wait3A_66 : memref<128xi32, #tpu.memory_space<hbm>>) dst(%arg8 : memref<128xi32, #tpu.memory_space<vmem>>)
      %dma_start3A_67 = arith.constant 0 : i32
      %dma_start3A_68 = arith.constant 0 : i32
      %dma_start3A_69 = tpu.memref_slice %arg12[%dma_start3A_67, %dma_start3A_68] : memref<10240x128xf32, #tpu.memory_space<vmem_shared>> -> memref<10240x128xf32, #tpu.memory_space<vmem_shared>>
      tpu.enqueue_indirect_dma source(%arg10 : memref<128x128xf32, #tpu.memory_space<vmem>>) target(%dma_start3A_69 : memref<10240x128xf32, #tpu.memory_space<vmem_shared>>) offsets(%arg8 : memref<128xi32, #tpu.memory_space<vmem>>) semaphore(%arg17 : memref<!tpu.dma_semaphore, #tpu.memory_space<semaphore_mem>>) {add = true}
      %dma_wait3A_70 = arith.constant 0 : i32
      %dma_wait3A_71 = tpu.memref_slice %arg7[%add3A_51, %dma_wait3A_70] : memref<80x128xi32, #tpu.memory_space<vmem>> -> memref<1x128xi32, #tpu.memory_space<vmem>>
      %dma_wait3A_72 = tpu.memref_squeeze %dma_wait3A_71 : memref<1x128xi32, #tpu.memory_space<vmem>> -> memref<128xi32, #tpu.memory_space<vmem>>
      %dma_wait3A_73 = arith.constant 0 : i32
      %dma_wait3A_74 = arith.constant 0 : i32
      %dma_wait3A_75 = tpu.memref_slice %arg2[%dma_wait3A_73, %dma_wait3A_74] : memref<10240x128xf32, #tpu.memory_space<hbm>> -> memref<10240x128xf32, #tpu.memory_space<hbm>>
      tpu.wait_indirect_dma semaphore(%arg14 : memref<!tpu.dma_semaphore, #tpu.memory_space<semaphore_mem>>) src(%dma_wait3A_75 : memref<10240x128xf32, #tpu.memory_space<hbm>>) dst(%arg11 : memref<128x128xf32, #tpu.memory_space<vmem>>)
      %add3A_76 = arith.addi %mul3A_2, %add3A_51 : i32
      %dma_wait3A_77 = arith.constant 0 : i32
      %dma_wait3A_78 = tpu.memref_slice %arg4[%add3A_76, %dma_wait3A_77] : memref<2560x128xi32, #tpu.memory_space<hbm>> -> memref<1x128xi32, #tpu.memory_space<hbm>>
      %dma_wait3A_79 = tpu.memref_squeeze %dma_wait3A_78 : memref<1x128xi32, #tpu.memory_space<hbm>> -> memref<128xi32, #tpu.memory_space<hbm>>
      %dma_wait3A_80 = arith.constant 0 : i32
      %dma_wait3A_81 = tpu.memref_slice %arg4[%add3A_76, %dma_wait3A_80] : memref<2560x128xi32, #tpu.memory_space<hbm>> -> memref<1x128xi32, #tpu.memory_space<hbm>>
      %dma_wait3A_82 = tpu.memref_squeeze %dma_wait3A_81 : memref<1x128xi32, #tpu.memory_space<hbm>> -> memref<128xi32, #tpu.memory_space<hbm>>
      tpu.wait_dma2 semaphore(%arg16 : memref<!tpu.dma_semaphore, #tpu.memory_space<semaphore_mem>>) src(%dma_wait3A_82 : memref<128xi32, #tpu.memory_space<hbm>>) dst(%arg9 : memref<128xi32, #tpu.memory_space<vmem>>)
      %dma_start3A_83 = arith.constant 0 : i32
      %dma_start3A_84 = arith.constant 0 : i32
      %dma_start3A_85 = tpu.memref_slice %arg12[%dma_start3A_83, %dma_start3A_84] : memref<10240x128xf32, #tpu.memory_space<vmem_shared>> -> memref<10240x128xf32, #tpu.memory_space<vmem_shared>>
      tpu.enqueue_indirect_dma source(%arg11 : memref<128x128xf32, #tpu.memory_space<vmem>>) target(%dma_start3A_85 : memref<10240x128xf32, #tpu.memory_space<vmem_shared>>) offsets(%arg9 : memref<128xi32, #tpu.memory_space<vmem>>) semaphore(%arg18 : memref<!tpu.dma_semaphore, #tpu.memory_space<semaphore_mem>>) {add = true}
      %dma_wait3A_86 = arith.constant 0 : i32
      %dma_wait3A_87 = arith.constant 0 : i32
      %dma_wait3A_88 = tpu.memref_slice %arg12[%dma_wait3A_86, %dma_wait3A_87] : memref<10240x128xf32, #tpu.memory_space<vmem_shared>> -> memref<10240x128xf32, #tpu.memory_space<vmem_shared>>
      tpu.wait_indirect_dma semaphore(%arg17 : memref<!tpu.dma_semaphore, #tpu.memory_space<semaphore_mem>>) src(%arg10 : memref<128x128xf32, #tpu.memory_space<vmem>>) dst(%dma_wait3A_88 : memref<10240x128xf32, #tpu.memory_space<vmem_shared>>)
      %convert_element_type3A = arith.extui %lt3A_54 : i1 to i32
      %cond3A = arith.constant 0 : i32
      %cond3A_89 = arith.cmpi ne, %convert_element_type3A, %cond3A : i32
      scf.if %cond3A_89 {
        %add3A_96 = arith.addi %mul3A_2, %mul3A_49 : i32
        %add3A_97 = arith.constant 2 : i32
        %add3A_98 = arith.addi %add3A_96, %add3A_97 : i32
        %dma_start3A_99 = arith.constant 0 : i32
        %dma_start3A_100 = tpu.memref_slice %arg4[%add3A_98, %dma_start3A_99] : memref<2560x128xi32, #tpu.memory_space<hbm>> -> memref<1x128xi32, #tpu.memory_space<hbm>>
        %dma_start3A_101 = tpu.memref_squeeze %dma_start3A_100 : memref<1x128xi32, #tpu.memory_space<hbm>> -> memref<128xi32, #tpu.memory_space<hbm>>
        %dma_start3A_102 = arith.constant 0 : i32
        %dma_start3A_103 = tpu.memref_slice %arg4[%add3A_98, %dma_start3A_102] : memref<2560x128xi32, #tpu.memory_space<hbm>> -> memref<1x128xi32, #tpu.memory_space<hbm>>
        %dma_start3A_104 = tpu.memref_squeeze %dma_start3A_103 : memref<1x128xi32, #tpu.memory_space<hbm>> -> memref<128xi32, #tpu.memory_space<hbm>>
        tpu.enqueue_dma source(%dma_start3A_104 : memref<128xi32, #tpu.memory_space<hbm>>) target(%arg8 : memref<128xi32, #tpu.memory_space<vmem>>) target_semaphore(%arg15 : memref<!tpu.dma_semaphore, #tpu.memory_space<semaphore_mem>>)
        %add3A_105 = arith.constant 2 : i32
        %add3A_106 = arith.addi %mul3A_49, %add3A_105 : i32
        %dma_start3A_107 = arith.constant 0 : i32
        %dma_start3A_108 = tpu.memref_slice %arg7[%add3A_106, %dma_start3A_107] : memref<80x128xi32, #tpu.memory_space<vmem>> -> memref<1x128xi32, #tpu.memory_space<vmem>>
        %dma_start3A_109 = tpu.memref_squeeze %dma_start3A_108 : memref<1x128xi32, #tpu.memory_space<vmem>> -> memref<128xi32, #tpu.memory_space<vmem>>
        %dma_start3A_110 = arith.constant 0 : i32
        %dma_start3A_111 = arith.constant 0 : i32
        %dma_start3A_112 = tpu.memref_slice %arg2[%dma_start3A_110, %dma_start3A_111] : memref<10240x128xf32, #tpu.memory_space<hbm>> -> memref<10240x128xf32, #tpu.memory_space<hbm>>
        tpu.enqueue_indirect_dma source(%dma_start3A_112 : memref<10240x128xf32, #tpu.memory_space<hbm>>) target(%arg10 : memref<128x128xf32, #tpu.memory_space<vmem>>) offsets(%dma_start3A_109 : memref<128xi32, #tpu.memory_space<vmem>>) semaphore(%arg13 : memref<!tpu.dma_semaphore, #tpu.memory_space<semaphore_mem>>)
      } else {
      }
      %dma_wait3A_90 = arith.constant 0 : i32
      %dma_wait3A_91 = arith.constant 0 : i32
      %dma_wait3A_92 = tpu.memref_slice %arg12[%dma_wait3A_90, %dma_wait3A_91] : memref<10240x128xf32, #tpu.memory_space<vmem_shared>> -> memref<10240x128xf32, #tpu.memory_space<vmem_shared>>
      tpu.wait_indirect_dma semaphore(%arg18 : memref<!tpu.dma_semaphore, #tpu.memory_space<semaphore_mem>>) src(%arg11 : memref<128x128xf32, #tpu.memory_space<vmem>>) dst(%dma_wait3A_92 : memref<10240x128xf32, #tpu.memory_space<vmem_shared>>)
      %convert_element_type3A_93 = arith.extui %lt3A_54 : i1 to i32
      %cond3A_94 = arith.constant 0 : i32
      %cond3A_95 = arith.cmpi ne, %convert_element_type3A_93, %cond3A_94 : i32
      scf.if %cond3A_95 {
        %add3A_96 = arith.addi %mul3A_2, %add3A_51 : i32
        %add3A_97 = arith.constant 2 : i32
        %add3A_98 = arith.addi %add3A_96, %add3A_97 : i32
        %dma_start3A_99 = arith.constant 0 : i32
        %dma_start3A_100 = tpu.memref_slice %arg4[%add3A_98, %dma_start3A_99] : memref<2560x128xi32, #tpu.memory_space<hbm>> -> memref<1x128xi32, #tpu.memory_space<hbm>>
        %dma_start3A_101 = tpu.memref_squeeze %dma_start3A_100 : memref<1x128xi32, #tpu.memory_space<hbm>> -> memref<128xi32, #tpu.memory_space<hbm>>
        %dma_start3A_102 = arith.constant 0 : i32
        %dma_start3A_103 = tpu.memref_slice %arg4[%add3A_98, %dma_start3A_102] : memref<2560x128xi32, #tpu.memory_space<hbm>> -> memref<1x128xi32, #tpu.memory_space<hbm>>
        %dma_start3A_104 = tpu.memref_squeeze %dma_start3A_103 : memref<1x128xi32, #tpu.memory_space<hbm>> -> memref<128xi32, #tpu.memory_space<hbm>>
        tpu.enqueue_dma source(%dma_start3A_104 : memref<128xi32, #tpu.memory_space<hbm>>) target(%arg9 : memref<128xi32, #tpu.memory_space<vmem>>) target_semaphore(%arg16 : memref<!tpu.dma_semaphore, #tpu.memory_space<semaphore_mem>>)
        %add3A_105 = arith.constant 2 : i32
        %add3A_106 = arith.addi %add3A_51, %add3A_105 : i32
        %dma_start3A_107 = arith.constant 0 : i32
        %dma_start3A_108 = tpu.memref_slice %arg7[%add3A_106, %dma_start3A_107] : memref<80x128xi32, #tpu.memory_space<vmem>> -> memref<1x128xi32, #tpu.memory_space<vmem>>
        %dma_start3A_109 = tpu.memref_squeeze %dma_start3A_108 : memref<1x128xi32, #tpu.memory_space<vmem>> -> memref<128xi32, #tpu.memory_space<vmem>>
        %dma_start3A_110 = arith.constant 0 : i32
        %dma_start3A_111 = arith.constant 0 : i32
        %dma_start3A_112 = tpu.memref_slice %arg2[%dma_start3A_110, %dma_start3A_111] : memref<10240x128xf32, #tpu.memory_space<hbm>> -> memref<10240x128xf32, #tpu.memory_space<hbm>>
        tpu.enqueue_indirect_dma source(%dma_start3A_112 : memref<10240x128xf32, #tpu.memory_space<hbm>>) target(%arg11 : memref<128x128xf32, #tpu.memory_space<vmem>>) offsets(%dma_start3A_109 : memref<128xi32, #tpu.memory_space<vmem>>) semaphore(%arg14 : memref<!tpu.dma_semaphore, #tpu.memory_space<semaphore_mem>>)
      } else {
      }
    }
    %scan3A_38 = arith.constant 40 : i32
    %barrier3A_39 = arith.constant 0 : index
    tpu.barrier barrier_id(%barrier3A_39)
    %mul3A_40 = arith.constant 640 : i32
    %mul3A_41 = arith.muli %arg1, %mul3A_40 : i32
    %mul3A_42 = arith.constant 10240 : i32
    %mul3A_43 = arith.muli %arg0, %mul3A_42 : i32
    %mul3A_44 = arith.constant 640 : i32
    %mul3A_45 = arith.muli %arg1, %mul3A_44 : i32
    %add3A_46 = arith.addi %mul3A_43, %mul3A_45 : i32
    "tpu.region"() ({
      %run_scoped3A = tpu.sem_alloc : memref<!tpu.dma_semaphore, #tpu.memory_space<semaphore_mem>>
      %dma_start3A_47 = arith.constant 0 : i32
      %dma_start3A_48 = tpu.memref_slice %arg6[%add3A_46, %dma_start3A_47] : memref<20480x128xf32, #tpu.memory_space<hbm>> -> memref<640x128xf32, #tpu.memory_space<hbm>>
      %dma_start3A_49 = arith.constant 0 : i32
      %dma_start3A_50 = tpu.memref_slice %arg12[%mul3A_41, %dma_start3A_49] : memref<10240x128xf32, #tpu.memory_space<vmem_shared>> -> memref<640x128xf32, #tpu.memory_space<vmem_shared>>
      tpu.enqueue_dma source(%dma_start3A_50 : memref<640x128xf32, #tpu.memory_space<vmem_shared>>) target(%dma_start3A_48 : memref<640x128xf32, #tpu.memory_space<hbm>>) target_semaphore(%run_scoped3A : memref<!tpu.dma_semaphore, #tpu.memory_space<semaphore_mem>>)
      %dma_wait3A = arith.constant 0 : i32
      %dma_wait3A_51 = tpu.memref_slice %arg6[%add3A_46, %dma_wait3A] : memref<20480x128xf32, #tpu.memory_space<hbm>> -> memref<640x128xf32, #tpu.memory_space<hbm>>
      %dma_wait3A_52 = arith.constant 0 : i32
      %dma_wait3A_53 = tpu.memref_slice %arg12[%mul3A_41, %dma_wait3A_52] : memref<10240x128xf32, #tpu.memory_space<vmem_shared>> -> memref<640x128xf32, #tpu.memory_space<vmem_shared>>
      tpu.wait_dma2 semaphore(%run_scoped3A : memref<!tpu.dma_semaphore, #tpu.memory_space<semaphore_mem>>) src(%dma_wait3A_53 : memref<640x128xf32, #tpu.memory_space<vmem_shared>>) dst(%dma_wait3A_51 : memref<640x128xf32, #tpu.memory_space<hbm>>)
      tpu.yield
    }) : () -> ()
    return
  }
}

#map = affine_map<(d0, d1) -> (0)>
#map1 = affine_map<(d0, d1) -> (0, 0)>
module attributes {stable_mosaic.version = 14 : i64} {
  func.func @_deg_body(%arg0: i32, %arg1: i32, %arg2: memref<327680xi32, #tpu.memory_space<hbm>>, %arg3: memref<32x10240xf32, #tpu.memory_space<hbm>>, %arg4: memref<10240xi32, #tpu.memory_space<vmem>>, %arg5: memref<10240xf32, #tpu.memory_space<vmem>>) attributes {dimension_semantics = [#tpu.dimension_semantics<core_parallel>, #tpu.dimension_semantics<subcore_parallel>], iteration_bounds = array<i64: 2, 16>, scalar_prefetch = 0 : i64, scratch_operands = 2 : i64, tpu.core_type = #tpu.core_type<sc_vector_subcore>, window_params = [{transform_indices = #map}, {transform_indices = #map1}]} {
    %mul3A = arith.constant 16 : i32
    %mul3A_0 = arith.muli %arg0, %mul3A : i32
    %add3A = arith.addi %mul3A_0, %arg1 : i32
    %scan3A = arith.constant 0 : i32
    %scan3A_1 = arith.constant 0 : i32
    %scan3A_2 = arith.constant 640 : i32
    %scan3A_3 = arith.addi %scan3A_1, %scan3A_2 : i32
    %scan3A_4 = arith.constant 1 : i32
    scf.for %scan3A_14 = %scan3A_1 to %scan3A_3 step %scan3A_4  : i32 {
      %broadcast_in_dim3A = arith.constant 0.000000e+00 : f32
      %broadcast_in_dim3A_15 = vector.broadcast %broadcast_in_dim3A : f32 to vector<16xf32>
      %mul3A_16 = arith.constant 16 : i32
      %mul3A_17 = arith.muli %scan3A_14, %mul3A_16 : i32
      %swap3A = arith.index_cast %mul3A_17 : i32 to index
      %swap3A_18 = tpu.vector_load %arg5[%swap3A] {strides = array<i32>} : memref<10240xf32, #tpu.memory_space<vmem>>, vector<16xf32>,
      tpu.vector_store %arg5[%swap3A], %broadcast_in_dim3A_15 {strides = array<i32>} : memref<10240xf32, #tpu.memory_space<vmem>>, vector<16xf32>,
    }
    %scan3A_5 = arith.constant 640 : i32
    %mul3A_6 = arith.constant 10240 : i32
    %mul3A_7 = arith.muli %add3A, %mul3A_6 : i32
    "tpu.region"() ({
      %run_scoped3A = tpu.sem_alloc : memref<!tpu.dma_semaphore, #tpu.memory_space<semaphore_mem>>
      %dma_start3A = tpu.memref_slice %arg2[%mul3A_7] : memref<327680xi32, #tpu.memory_space<hbm>> -> memref<10240xi32, #tpu.memory_space<hbm>>
      %dma_start3A_14 = tpu.memref_slice %arg2[%mul3A_7] : memref<327680xi32, #tpu.memory_space<hbm>> -> memref<10240xi32, #tpu.memory_space<hbm>>
      tpu.enqueue_dma source(%dma_start3A_14 : memref<10240xi32, #tpu.memory_space<hbm>>) target(%arg4 : memref<10240xi32, #tpu.memory_space<vmem>>) target_semaphore(%run_scoped3A : memref<!tpu.dma_semaphore, #tpu.memory_space<semaphore_mem>>)
      %dma_wait3A = tpu.memref_slice %arg2[%mul3A_7] : memref<327680xi32, #tpu.memory_space<hbm>> -> memref<10240xi32, #tpu.memory_space<hbm>>
      %dma_wait3A_15 = tpu.memref_slice %arg2[%mul3A_7] : memref<327680xi32, #tpu.memory_space<hbm>> -> memref<10240xi32, #tpu.memory_space<hbm>>
      tpu.wait_dma2 semaphore(%run_scoped3A : memref<!tpu.dma_semaphore, #tpu.memory_space<semaphore_mem>>) src(%dma_wait3A_15 : memref<10240xi32, #tpu.memory_space<hbm>>) dst(%arg4 : memref<10240xi32, #tpu.memory_space<vmem>>)
      tpu.yield
    }) : () -> ()
    %scan3A_8 = arith.constant 0 : i32
    %scan3A_9 = arith.constant 0 : i32
    %scan3A_10 = arith.constant 640 : i32
    %scan3A_11 = arith.addi %scan3A_9, %scan3A_10 : i32
    %scan3A_12 = arith.constant 1 : i32
    scf.for %scan3A_14 = %scan3A_9 to %scan3A_11 step %scan3A_12  : i32 {
      %mul3A_15 = arith.constant 16 : i32
      %mul3A_16 = arith.muli %scan3A_14, %mul3A_15 : i32
      %get3A = arith.index_cast %mul3A_16 : i32 to index
      %get3A_17 = tpu.vector_load %arg4[%get3A] {strides = array<i32>} : memref<10240xi32, #tpu.memory_space<vmem>>, vector<16xi32>,
      %broadcast_in_dim3A = arith.constant 1.000000e+00 : f32
      %broadcast_in_dim3A_18 = vector.broadcast %broadcast_in_dim3A : f32 to vector<16xf32>
      tpu.vector_store_idx %arg5[%get3A_17], %broadcast_in_dim3A_18 {add = true} : memref<10240xf32, #tpu.memory_space<vmem>>[vector<16xi32>], vector<16xf32>,
    }
    %scan3A_13 = arith.constant 640 : i32
    "tpu.region"() ({
      %run_scoped3A = tpu.sem_alloc : memref<!tpu.dma_semaphore, #tpu.memory_space<semaphore_mem>>
      %dma_start3A = arith.constant 0 : i32
      %dma_start3A_14 = tpu.memref_slice %arg3[%add3A, %dma_start3A] : memref<32x10240xf32, #tpu.memory_space<hbm>> -> memref<1x10240xf32, #tpu.memory_space<hbm>>
      %dma_start3A_15 = tpu.memref_squeeze %dma_start3A_14 : memref<1x10240xf32, #tpu.memory_space<hbm>> -> memref<10240xf32, #tpu.memory_space<hbm>>
      %dma_start3A_16 = arith.constant 0 : i32
      %dma_start3A_17 = tpu.memref_slice %arg3[%add3A, %dma_start3A_16] : memref<32x10240xf32, #tpu.memory_space<hbm>> -> memref<1x10240xf32, #tpu.memory_space<hbm>>
      %dma_start3A_18 = tpu.memref_squeeze %dma_start3A_17 : memref<1x10240xf32, #tpu.memory_space<hbm>> -> memref<10240xf32, #tpu.memory_space<hbm>>
      tpu.enqueue_dma source(%arg5 : memref<10240xf32, #tpu.memory_space<vmem>>) target(%dma_start3A_18 : memref<10240xf32, #tpu.memory_space<hbm>>) target_semaphore(%run_scoped3A : memref<!tpu.dma_semaphore, #tpu.memory_space<semaphore_mem>>)
      %dma_wait3A = arith.constant 0 : i32
      %dma_wait3A_19 = tpu.memref_slice %arg3[%add3A, %dma_wait3A] : memref<32x10240xf32, #tpu.memory_space<hbm>> -> memref<1x10240xf32, #tpu.memory_space<hbm>>
      %dma_wait3A_20 = tpu.memref_squeeze %dma_wait3A_19 : memref<1x10240xf32, #tpu.memory_space<hbm>> -> memref<10240xf32, #tpu.memory_space<hbm>>
      %dma_wait3A_21 = arith.constant 0 : i32
      %dma_wait3A_22 = tpu.memref_slice %arg3[%add3A, %dma_wait3A_21] : memref<32x10240xf32, #tpu.memory_space<hbm>> -> memref<1x10240xf32, #tpu.memory_space<hbm>>
      %dma_wait3A_23 = tpu.memref_squeeze %dma_wait3A_22 : memref<1x10240xf32, #tpu.memory_space<hbm>> -> memref<10240xf32, #tpu.memory_space<hbm>>
      tpu.wait_dma2 semaphore(%run_scoped3A : memref<!tpu.dma_semaphore, #tpu.memory_space<semaphore_mem>>) src(%arg5 : memref<10240xf32, #tpu.memory_space<vmem>>) dst(%dma_wait3A_23 : memref<10240xf32, #tpu.memory_space<hbm>>)
      tpu.yield
    }) : () -> ()
    return
  }
}

module attributes {stable_mosaic.version = 14 : i64} {
  func.func @_k1_body(%arg0: i32, %arg1: memref<512x128xf32, #tpu.memory_space<vmem>>, %arg2: memref<32x512xf32, #tpu.memory_space<vmem>>, %arg3: memref<128x128xf32, #tpu.memory_space<vmem>>, %arg4: memref<384x128xf32, #tpu.memory_space<vmem>>, %arg5: memref<384x128xf32, #tpu.memory_space<vmem>>, %arg6: memref<1x384xf32, #tpu.memory_space<vmem>>, %arg7: memref<1x384xf32, #tpu.memory_space<vmem>>, %arg8: memref<512x128xf32, #tpu.memory_space<vmem>>, %arg9: memref<128x128xf32, #tpu.memory_space<vmem>>) attributes {dimension_semantics = [#tpu.dimension_semantics<arbitrary>], iteration_bounds = array<i64: 20>, scalar_prefetch = 0 : i64, scratch_operands = 1 : i64, tpu.core_type = #tpu.core_type<tc>, window_params = [{transform_indices = @transform_0, window_bounds = array<i64: 512, 128>}, {transform_indices = @transform_1, window_bounds = array<i64: 32, 512>}, {pipeline_mode = #tpu.pipeline_mode<synchronous>, transform_indices = @transform_2, window_bounds = array<i64: 128, 128>}, {pipeline_mode = #tpu.pipeline_mode<synchronous>, transform_indices = @transform_3, window_bounds = array<i64: 384, 128>}, {pipeline_mode = #tpu.pipeline_mode<synchronous>, transform_indices = @transform_4, window_bounds = array<i64: 384, 128>}, {pipeline_mode = #tpu.pipeline_mode<synchronous>, transform_indices = @transform_5, window_bounds = array<i64: 1, 384>}, {pipeline_mode = #tpu.pipeline_mode<synchronous>, transform_indices = @transform_6, window_bounds = array<i64: 1, 384>}, {transform_indices = @transform_7, window_bounds = array<i64: 512, 128>}]} {
    %eq3A = arith.constant 0 : i32
    %eq3A_0 = arith.cmpi eq, %arg0, %eq3A : i32
    %convert_element_type3A = arith.extui %eq3A_0 : i1 to i32
    %cond3A = arith.constant 0 : i32
    %cond3A_1 = arith.cmpi ne, %convert_element_type3A, %cond3A : i32
    scf.if %cond3A_1 {
      %get3A_19 = arith.constant 0 : index
      %get3A_20 = arith.constant 0 : index
      %get3A_21 = vector.load %arg3[%get3A_19, %get3A_20] : memref<128x128xf32, #tpu.memory_space<vmem>>, vector<128x128xf32>
      %get3A_22 = arith.constant 0 : index
      %get3A_23 = arith.constant 0 : index
      %get3A_24 = vector.load %arg4[%get3A_22, %get3A_23] : memref<384x128xf32, #tpu.memory_space<vmem>>, vector<384x128xf32>
      %dot_general3A_25 = arith.constant dense<0.000000e+00> : vector<128x384xf32>
      %dot_general3A_26 = tpu.matmul %get3A_21, %get3A_24, %dot_general3A_25 {dimension_numbers = #tpu.dot_dimension_numbers<[1], [1], [0], [0], [0, 0, 1, 0], [], []>, transpose_lhs_hint = false} : vector<128x128xf32>, vector<384x128xf32>, vector<128x384xf32> -> vector<128x384xf32>
      %get3A_27 = arith.constant 0 : index
      %get3A_28 = arith.constant 0 : index
      %get3A_29 = vector.load %arg6[%get3A_27, %get3A_28] : memref<1x384xf32, #tpu.memory_space<vmem>>, vector<1x384xf32>
      %add3A_30 = vector.broadcast %get3A_29 : vector<1x384xf32> to vector<128x384xf32>
      %add3A_31 = arith.addf %dot_general3A_26, %add3A_30 : vector<128x384xf32>
      %get3A_32 = arith.constant 0 : index
      %get3A_33 = arith.constant 0 : index
      %get3A_34 = vector.load %arg5[%get3A_32, %get3A_33] : memref<384x128xf32, #tpu.memory_space<vmem>>, vector<384x128xf32>
      %dot_general3A_35 = arith.constant dense<0.000000e+00> : vector<128x384xf32>
      %dot_general3A_36 = tpu.matmul %get3A_21, %get3A_34, %dot_general3A_35 {dimension_numbers = #tpu.dot_dimension_numbers<[1], [1], [0], [0], [0, 0, 1, 0], [], []>, transpose_lhs_hint = false} : vector<128x128xf32>, vector<384x128xf32>, vector<128x384xf32> -> vector<128x384xf32>
      %get3A_37 = arith.constant 0 : index
      %get3A_38 = arith.constant 0 : index
      %get3A_39 = vector.load %arg7[%get3A_37, %get3A_38] : memref<1x384xf32, #tpu.memory_space<vmem>>, vector<1x384xf32>
      %add3A_40 = vector.broadcast %get3A_39 : vector<1x384xf32> to vector<128x384xf32>
      %add3A_41 = arith.addf %dot_general3A_36, %add3A_40 : vector<128x384xf32>
      %slice3A = vector.extract_strided_slice %add3A_31 {offsets = [0, 0], sizes = [128, 128], strides = [1, 1]} : vector<128x384xf32> to vector<128x128xf32>
      %slice3A_42 = vector.extract_strided_slice %add3A_41 {offsets = [0, 0], sizes = [128, 128], strides = [1, 1]} : vector<128x384xf32> to vector<128x128xf32>
      %add3A_43 = arith.addf %slice3A, %slice3A_42 : vector<128x128xf32>
      %logistic3A = arith.negf %add3A_43 : vector<128x128xf32>
      %logistic3A_44 = math.exp %logistic3A : vector<128x128xf32>
      %logistic3A_45 = arith.constant 1.000000e+00 : f32
      %logistic3A_46 = vector.broadcast %logistic3A_45 : f32 to vector<128x128xf32>
      %logistic3A_47 = arith.addf %logistic3A_46, %logistic3A_44 : vector<128x128xf32>
      %logistic3A_48 = arith.divf %logistic3A_46, %logistic3A_47 : vector<128x128xf32>
      %slice3A_49 = vector.extract_strided_slice %add3A_31 {offsets = [0, 128], sizes = [128, 128], strides = [1, 1]} : vector<128x384xf32> to vector<128x128xf32>
      %slice3A_50 = vector.extract_strided_slice %add3A_41 {offsets = [0, 128], sizes = [128, 128], strides = [1, 1]} : vector<128x384xf32> to vector<128x128xf32>
      %add3A_51 = arith.addf %slice3A_49, %slice3A_50 : vector<128x128xf32>
      %logistic3A_52 = arith.negf %add3A_51 : vector<128x128xf32>
      %logistic3A_53 = math.exp %logistic3A_52 : vector<128x128xf32>
      %logistic3A_54 = arith.constant 1.000000e+00 : f32
      %logistic3A_55 = vector.broadcast %logistic3A_54 : f32 to vector<128x128xf32>
      %logistic3A_56 = arith.addf %logistic3A_55, %logistic3A_53 : vector<128x128xf32>
      %logistic3A_57 = arith.divf %logistic3A_55, %logistic3A_56 : vector<128x128xf32>
      %slice3A_58 = vector.extract_strided_slice %add3A_31 {offsets = [0, 256], sizes = [128, 128], strides = [1, 1]} : vector<128x384xf32> to vector<128x128xf32>
      %slice3A_59 = vector.extract_strided_slice %add3A_41 {offsets = [0, 256], sizes = [128, 128], strides = [1, 1]} : vector<128x384xf32> to vector<128x128xf32>
      %mul3A_60 = arith.mulf %logistic3A_48, %slice3A_59 : vector<128x128xf32>
      %add3A_61 = arith.addf %slice3A_58, %mul3A_60 : vector<128x128xf32>
      %tanh3A = math.tanh %add3A_61 : vector<128x128xf32>
      %sub3A = arith.constant 1.000000e+00 : f32
      %sub3A_62 = vector.broadcast %sub3A : f32 to vector<128x128xf32>
      %sub3A_63 = arith.subf %sub3A_62, %logistic3A_57 : vector<128x128xf32>
      %mul3A_64 = arith.mulf %sub3A_63, %tanh3A : vector<128x128xf32>
      %mul3A_65 = arith.mulf %logistic3A_57, %get3A_21 : vector<128x128xf32>
      %add3A_66 = arith.addf %mul3A_64, %mul3A_65 : vector<128x128xf32>
      %swap3A_67 = arith.constant 0 : index
      %swap3A_68 = arith.constant 0 : index
      %swap3A_69 = vector.load %arg9[%swap3A_67, %swap3A_68] : memref<128x128xf32, #tpu.memory_space<vmem>>, vector<128x128xf32>
      tpu.vector_store %arg9[%swap3A_67, %swap3A_68], %add3A_66 {strides = array<i32>} : memref<128x128xf32, #tpu.memory_space<vmem>>, vector<128x128xf32>,
    } else {
    }
    %get3A = arith.constant 0 : index
    %get3A_2 = arith.constant 0 : index
    %get3A_3 = vector.load %arg1[%get3A, %get3A_2] : memref<512x128xf32, #tpu.memory_space<vmem>>, vector<512x128xf32>
    %get3A_4 = arith.constant 0 : index
    %get3A_5 = arith.constant 0 : index
    %get3A_6 = vector.load %arg9[%get3A_4, %get3A_5] : memref<128x128xf32, #tpu.memory_space<vmem>>, vector<128x128xf32>
    %dot_general3A = arith.constant dense<0.000000e+00> : vector<512x128xf32>
    %dot_general3A_7 = tpu.matmul %get3A_3, %get3A_6, %dot_general3A {dimension_numbers = #tpu.dot_dimension_numbers<[1], [0], [0], [1], [0, 0, 1, 1], [], []>, transpose_lhs_hint = false} : vector<512x128xf32>, vector<128x128xf32>, vector<512x128xf32> -> vector<512x128xf32>
    %get3A_8 = arith.constant 0 : index
    %get3A_9 = arith.constant 0 : index
    %get3A_10 = vector.load %arg2[%get3A_8, %get3A_9] : memref<32x512xf32, #tpu.memory_space<vmem>>, vector<32x512xf32>
    %broadcast_in_dim3A = arith.constant 1.000000e+00 : f32
    %broadcast_in_dim3A_11 = vector.broadcast %broadcast_in_dim3A : f32 to vector<32x1xf32>
    %dot_general3A_12 = arith.constant dense<0.000000e+00> : vector<512x1xf32>
    %dot_general3A_13 = tpu.matmul %get3A_10, %broadcast_in_dim3A_11, %dot_general3A_12 {dimension_numbers = #tpu.dot_dimension_numbers<[0], [0], [1], [1], [0, 1, 1, 1], [], []>, transpose_lhs_hint = false} : vector<32x512xf32>, vector<32x1xf32>, vector<512x1xf32> -> vector<512x1xf32>
    %add3A = arith.constant 1.000000e+00 : f32
    %add3A_14 = vector.broadcast %add3A : f32 to vector<512x1xf32>
    %add3A_15 = arith.addf %dot_general3A_13, %add3A_14 : vector<512x1xf32>
    %rsqrt3A = math.rsqrt %add3A_15 : vector<512x1xf32>
    %mul3A = vector.broadcast %rsqrt3A : vector<512x1xf32> to vector<512x128xf32>
    %mul3A_16 = arith.mulf %dot_general3A_7, %mul3A : vector<512x128xf32>
    %swap3A = arith.constant 0 : index
    %swap3A_17 = arith.constant 0 : index
    %swap3A_18 = vector.load %arg8[%swap3A, %swap3A_17] : memref<512x128xf32, #tpu.memory_space<vmem>>, vector<512x128xf32>
    tpu.vector_store %arg8[%swap3A, %swap3A_17], %mul3A_16 {strides = array<i32>} : memref<512x128xf32, #tpu.memory_space<vmem>>, vector<512x128xf32>,
    return
  }
  func.func @transform_0(%arg0: i32) -> (i32, i32) {
    %c0_i32 = arith.constant 0 : i32
    %c0_i32_0 = arith.constant 0 : i32
    return %arg0, %c0_i32 : i32, i32
  }
  func.func @transform_1(%arg0: i32) -> (i32, i32) {
    %c0_i32 = arith.constant 0 : i32
    %c0_i32_0 = arith.constant 0 : i32
    return %c0_i32, %arg0 : i32, i32
  }
  func.func @transform_2(%arg0: i32) -> (i32, i32) {
    %c0_i32 = arith.constant 0 : i32
    %c0_i32_0 = arith.constant 0 : i32
    %c0_i32_1 = arith.constant 0 : i32
    return %c0_i32, %c0_i32_0 : i32, i32
  }
  func.func @transform_3(%arg0: i32) -> (i32, i32) {
    %c0_i32 = arith.constant 0 : i32
    %c0_i32_0 = arith.constant 0 : i32
    %c0_i32_1 = arith.constant 0 : i32
    return %c0_i32, %c0_i32_0 : i32, i32
  }
  func.func @transform_4(%arg0: i32) -> (i32, i32) {
    %c0_i32 = arith.constant 0 : i32
    %c0_i32_0 = arith.constant 0 : i32
    %c0_i32_1 = arith.constant 0 : i32
    return %c0_i32, %c0_i32_0 : i32, i32
  }
  func.func @transform_5(%arg0: i32) -> (i32, i32) {
    %c0_i32 = arith.constant 0 : i32
    %c0_i32_0 = arith.constant 0 : i32
    %c0_i32_1 = arith.constant 0 : i32
    return %c0_i32, %c0_i32_0 : i32, i32
  }
  func.func @transform_6(%arg0: i32) -> (i32, i32) {
    %c0_i32 = arith.constant 0 : i32
    %c0_i32_0 = arith.constant 0 : i32
    %c0_i32_1 = arith.constant 0 : i32
    return %c0_i32, %c0_i32_0 : i32, i32
  }
  func.func @transform_7(%arg0: i32) -> (i32, i32) {
    %c0_i32 = arith.constant 0 : i32
    %c0_i32_0 = arith.constant 0 : i32
    return %arg0, %c0_i32 : i32, i32
  }
}

module attributes {stable_mosaic.version = 14 : i64} {
  func.func @_k5_body(%arg0: i32, %arg1: memref<512x128xf32, #tpu.memory_space<vmem>>, %arg2: memref<512x128xf32, #tpu.memory_space<vmem>>, %arg3: memref<512x128xf32, #tpu.memory_space<vmem>>, %arg4: memref<32x512xf32, #tpu.memory_space<vmem>>, %arg5: memref<128x128xf32, #tpu.memory_space<vmem>>, %arg6: memref<1x128xf32, #tpu.memory_space<vmem>>, %arg7: memref<128x128xf32, #tpu.memory_space<vmem>>, %arg8: memref<1x128xf32, #tpu.memory_space<vmem>>, %arg9: memref<512x128xf32, #tpu.memory_space<vmem>>) attributes {dimension_semantics = [#tpu.dimension_semantics<arbitrary>], iteration_bounds = array<i64: 20>, scalar_prefetch = 0 : i64, scratch_operands = 0 : i64, tpu.core_type = #tpu.core_type<tc>, window_params = [{transform_indices = @transform_0, window_bounds = array<i64: 512, 128>}, {transform_indices = @transform_1, window_bounds = array<i64: 512, 128>}, {transform_indices = @transform_2, window_bounds = array<i64: 512, 128>}, {transform_indices = @transform_3, window_bounds = array<i64: 32, 512>}, {pipeline_mode = #tpu.pipeline_mode<synchronous>, transform_indices = @transform_4, window_bounds = array<i64: 128, 128>}, {pipeline_mode = #tpu.pipeline_mode<synchronous>, transform_indices = @transform_5, window_bounds = array<i64: 1, 128>}, {pipeline_mode = #tpu.pipeline_mode<synchronous>, transform_indices = @transform_6, window_bounds = array<i64: 128, 128>}, {pipeline_mode = #tpu.pipeline_mode<synchronous>, transform_indices = @transform_7, window_bounds = array<i64: 1, 128>}, {transform_indices = @transform_8, window_bounds = array<i64: 512, 128>}]} {
    %get3A = arith.constant 0 : index
    %get3A_0 = arith.constant 0 : index
    %get3A_1 = vector.load %arg1[%get3A, %get3A_0] : memref<512x128xf32, #tpu.memory_space<vmem>>, vector<512x128xf32>
    %get3A_2 = arith.constant 0 : index
    %get3A_3 = arith.constant 0 : index
    %get3A_4 = vector.load %arg2[%get3A_2, %get3A_3] : memref<512x128xf32, #tpu.memory_space<vmem>>, vector<512x128xf32>
    %add3A = arith.addf %get3A_1, %get3A_4 : vector<512x128xf32>
    %get3A_5 = arith.constant 0 : index
    %get3A_6 = arith.constant 0 : index
    %get3A_7 = vector.load %arg3[%get3A_5, %get3A_6] : memref<512x128xf32, #tpu.memory_space<vmem>>, vector<512x128xf32>
    %add3A_8 = arith.addf %add3A, %get3A_7 : vector<512x128xf32>
    %get3A_9 = arith.constant 0 : index
    %get3A_10 = arith.constant 0 : index
    %get3A_11 = vector.load %arg4[%get3A_9, %get3A_10] : memref<32x512xf32, #tpu.memory_space<vmem>>, vector<32x512xf32>
    %broadcast_in_dim3A = arith.constant 1.000000e+00 : f32
    %broadcast_in_dim3A_12 = vector.broadcast %broadcast_in_dim3A : f32 to vector<32x1xf32>
    %dot_general3A = arith.constant dense<0.000000e+00> : vector<512x1xf32>
    %dot_general3A_13 = tpu.matmul %get3A_11, %broadcast_in_dim3A_12, %dot_general3A {dimension_numbers = #tpu.dot_dimension_numbers<[0], [0], [1], [1], [0, 1, 1, 1], [], []>, transpose_lhs_hint = false} : vector<32x512xf32>, vector<32x1xf32>, vector<512x1xf32> -> vector<512x1xf32>
    %add3A_14 = arith.constant 1.000000e+00 : f32
    %add3A_15 = vector.broadcast %add3A_14 : f32 to vector<512x1xf32>
    %add3A_16 = arith.addf %dot_general3A_13, %add3A_15 : vector<512x1xf32>
    %rsqrt3A = math.rsqrt %add3A_16 : vector<512x1xf32>
    %mul3A = vector.broadcast %rsqrt3A : vector<512x1xf32> to vector<512x128xf32>
    %mul3A_17 = arith.mulf %add3A_8, %mul3A : vector<512x128xf32>
    %get3A_18 = arith.constant 0 : index
    %get3A_19 = arith.constant 0 : index
    %get3A_20 = vector.load %arg5[%get3A_18, %get3A_19] : memref<128x128xf32, #tpu.memory_space<vmem>>, vector<128x128xf32>
    %dot_general3A_21 = arith.constant dense<0.000000e+00> : vector<512x128xf32>
    %dot_general3A_22 = tpu.matmul %mul3A_17, %get3A_20, %dot_general3A_21 {dimension_numbers = #tpu.dot_dimension_numbers<[1], [1], [0], [0], [0, 0, 1, 0], [], []>, transpose_lhs_hint = false} : vector<512x128xf32>, vector<128x128xf32>, vector<512x128xf32> -> vector<512x128xf32>
    %get3A_23 = arith.constant 0 : index
    %get3A_24 = arith.constant 0 : index
    %get3A_25 = vector.load %arg6[%get3A_23, %get3A_24] : memref<1x128xf32, #tpu.memory_space<vmem>>, vector<1x128xf32>
    %add3A_26 = vector.broadcast %get3A_25 : vector<1x128xf32> to vector<512x128xf32>
    %add3A_27 = arith.addf %dot_general3A_22, %add3A_26 : vector<512x128xf32>
    %max3A = arith.constant 0.000000e+00 : f32
    %max3A_28 = vector.broadcast %max3A : f32 to vector<512x128xf32>
    %max3A_29 = arith.maximumf %add3A_27, %max3A_28 : vector<512x128xf32>
    %get3A_30 = arith.constant 0 : index
    %get3A_31 = arith.constant 0 : index
    %get3A_32 = vector.load %arg7[%get3A_30, %get3A_31] : memref<128x128xf32, #tpu.memory_space<vmem>>, vector<128x128xf32>
    %dot_general3A_33 = arith.constant dense<0.000000e+00> : vector<512x128xf32>
    %dot_general3A_34 = tpu.matmul %max3A_29, %get3A_32, %dot_general3A_33 {dimension_numbers = #tpu.dot_dimension_numbers<[1], [1], [0], [0], [0, 0, 1, 0], [], []>, transpose_lhs_hint = false} : vector<512x128xf32>, vector<128x128xf32>, vector<512x128xf32> -> vector<512x128xf32>
    %get3A_35 = arith.constant 0 : index
    %get3A_36 = arith.constant 0 : index
    %get3A_37 = vector.load %arg8[%get3A_35, %get3A_36] : memref<1x128xf32, #tpu.memory_space<vmem>>, vector<1x128xf32>
    %add3A_38 = vector.broadcast %get3A_37 : vector<1x128xf32> to vector<512x128xf32>
    %add3A_39 = arith.addf %dot_general3A_34, %add3A_38 : vector<512x128xf32>
    %swap3A = arith.constant 0 : index
    %swap3A_40 = arith.constant 0 : index
    %swap3A_41 = vector.load %arg9[%swap3A, %swap3A_40] : memref<512x128xf32, #tpu.memory_space<vmem>>, vector<512x128xf32>
    tpu.vector_store %arg9[%swap3A, %swap3A_40], %add3A_39 {strides = array<i32>} : memref<512x128xf32, #tpu.memory_space<vmem>>, vector<512x128xf32>,
    return
  }
  func.func @transform_0(%arg0: i32) -> (i32, i32) {
    %c0_i32 = arith.constant 0 : i32
    %c0_i32_0 = arith.constant 0 : i32
    return %arg0, %c0_i32 : i32, i32
  }
  func.func @transform_1(%arg0: i32) -> (i32, i32) {
    %add3A = arith.constant 20 : i32
    %add3A_0 = arith.addi %arg0, %add3A : i32
    %c0_i32 = arith.constant 0 : i32
    %c0_i32_1 = arith.constant 0 : i32
    return %add3A_0, %c0_i32 : i32, i32
  }
  func.func @transform_2(%arg0: i32) -> (i32, i32) {
    %c0_i32 = arith.constant 0 : i32
    %c0_i32_0 = arith.constant 0 : i32
    return %arg0, %c0_i32 : i32, i32
  }
  func.func @transform_3(%arg0: i32) -> (i32, i32) {
    %c0_i32 = arith.constant 0 : i32
    %c0_i32_0 = arith.constant 0 : i32
    return %c0_i32, %arg0 : i32, i32
  }
  func.func @transform_4(%arg0: i32) -> (i32, i32) {
    %c0_i32 = arith.constant 0 : i32
    %c0_i32_0 = arith.constant 0 : i32
    %c0_i32_1 = arith.constant 0 : i32
    return %c0_i32, %c0_i32_0 : i32, i32
  }
  func.func @transform_5(%arg0: i32) -> (i32, i32) {
    %c0_i32 = arith.constant 0 : i32
    %c0_i32_0 = arith.constant 0 : i32
    %c0_i32_1 = arith.constant 0 : i32
    return %c0_i32, %c0_i32_0 : i32, i32
  }
  func.func @transform_6(%arg0: i32) -> (i32, i32) {
    %c0_i32 = arith.constant 0 : i32
    %c0_i32_0 = arith.constant 0 : i32
    %c0_i32_1 = arith.constant 0 : i32
    return %c0_i32, %c0_i32_0 : i32, i32
  }
  func.func @transform_7(%arg0: i32) -> (i32, i32) {
    %c0_i32 = arith.constant 0 : i32
    %c0_i32_0 = arith.constant 0 : i32
    %c0_i32_1 = arith.constant 0 : i32
    return %c0_i32, %c0_i32_0 : i32, i32
  }
  func.func @transform_8(%arg0: i32) -> (i32, i32) {
    %c0_i32 = arith.constant 0 : i32
    %c0_i32_0 = arith.constant 0 : i32
    return %arg0, %c0_i32 : i32, i32
  }
}

</mosaic_0001>

<sc_bundles>
// kernel: kernel.6.cloned.1.call-start
scs
__scs_entry_jumppad:
0x0: {  	(pc) =	sbr.rel $0x88, $3  }
0x1: {  	(tag) =	ssettag $0x0;
	lr =	simm.s32 $0x1  }
0x2: {  	[smem:$0x3F96] =	sst lr;
	_ =	strace $0xD0000000  }
0x3: {  	_ = 	snop  }
0x4: {  	_ = 	snop  }
0x5: {  	_ = 	snop  }
0x6: {  	_ = 	snop  }
0x7: {  	_ = 	snop  }
__scs_overlays_trampoline_lowered:
0x8: {  	[smem:$0x3FA5] =	sst s0  }
0x9: {  	[smem:$0x3FA6] =	sst s1  }
0xa: {  	[smem:$0x3FA7] =	sst s2  }
0xb: {  	[smem:$0x3FA8] =	sst s3  }
0xc: {  	[smem:$0x3FA9] =	sst s4  }
0xd: {  	[smem:$0x3FAA] =	sst s5  }
0xe: {  	[smem:$0x3FAB] =	sst s6  }
0xf: {  	[smem:$0x3FAC] =	sst s7  }
0x10: {  	[smem:$0x3FAD] =	sst s8  }
0x11: {  	[smem:$0x3FAE] =	sst s9;
	s0 =	simm.s32 @!p0 $0x0  }
0x12: {  	s1 =	sld [smem:$0x3F94];
	s0 =	simm.s32 @p0 $0x1  }
0x13: {  	[smem:$0x3FAF] =	sst s0;
	s0 =	simm.s32 @!p1 $0x0  }
0x14: {  	s2 =	sld [smem:$0x3F93];
	s0 =	simm.s32 @p1 $0x1  }
0x15: {  	[smem:$0x3FB0] =	sst s0;
	s0 =	simm.s32 @!p2 $0x0  }
0x16: {  	s3 =	sld [smem:$0x3FDB];
	s0 =	simm.s32 @p2 $0x1  }
0x17: {  	s4 =	simm.s32 $0x1BF5;
	[smem:$0x3FB2] =	sst s0  }
0x18: {  	s0 =	sld [smem:$0x3F95];
	_ =	swait.ge [sflag:s4], $0x0  }
0x19: {  	s7 =	sld [smem:$0x3F96]  }
0x1a: {  	s8 =	sadd.s32 $0xFFFFE003, lr  }
0x1b: {  	s9 =	sadd.s32 $0xFFFFFEF7, lr;
	s5 =	simm.s32 $0xFFFFFFFF;
	p2 =	slt.u32 s8, $0xFFFFF086  }
0x1c: {  	p1 =	slt.u32 s9, $0xF7A;
	s5 =	simm.s32 @!p2 $0x0  }
0x1d: {  	s5 =	simm.s32 @p1 $0x1;
	p0 =	seq.s32 s7, s2  }
0x1e: {  	s7 =	smul.u32 @!p0 $0xF7A, s2;
	p2 =	seq.s32 @!p0 s5, $0x0  }
0x1f: {  	s9 =	smul.u32 $0xF7A, s1;
	s8 =	simm.s32 @!p0 $0x1BF5;
	p2 =	por !p2, p0  }
0x20: {  	[sflag:s8] =	ssyncset.s32 @!p0 $0xFFFFF086;
	s6 =	sadd.s32 @!p0 s3, s7;
	s7 =	simm.s32 @!p0 $0x108  }
0x21: {  	s3 =	sadd.s32 s3, s9;
	s6 =	sadd.s32 @!p0 $0x88, s6;
	s7 =	simm.s32 @p2 $0x1082  }
0x22: {  	[simem:s7], [sflag:s8] =	dma.local @!p0 [hbm:s6], $0xF7A  }
0x23: {  	s9 =	sor.u32 $0xD0000000, s2;
	s6 =	simm.s32 $0x108;
	_ =	swait.ge @!p0 [sflag:s8], $0x0  }
0x24: {  	s3 =	sadd.s32 $0x88, s3;
	s6 =	simm.s32 @!p1 $0x1082;
	[sflag:s4] =	ssyncset.s32 $0xFFFFF086  }
0x25: {  	[simem:s6], [sflag:s4] =	dma.local [hbm:s3], $0xF7A  }
0x26: {  	[smem:$0x3F96] =	sst s1;
	(tag) =	ssettag s2;
	_ =	strace s9  }
0x27: {  	s1 =	sld [smem:$0x3FA6]  }
0x28: {  	s2 =	sld [smem:$0x3FA7]  }
0x29: {  	s4 =	sld [smem:$0x3FA9]  }
0x2a: {  	p0 =	seq.s32 s5, $0x0;
	s5 =	sld [smem:$0x3FAA]  }
0x2b: {  	s6 =	sld [smem:$0x3FAB]  }
0x2c: {  	s7 =	sld [smem:$0x3FAC]  }
0x2d: {  	s3 =	simm.s32 $0x108;
	s8 =	sld [smem:$0x3FAD]  }
0x2e: {  	s3 =	simm.s32 @!p0 $0x1082;
	s9 =	sld [smem:$0x3FAE]  }
0x2f: {  	lr =	sadd.s32 s0, s3;
	s0 =	sld [smem:$0x3FA5]  }
0x30: {  	s3 =	sld [smem:$0x3FA8]  }
0x31: {  	[smem:$0x3FB1] =	sst s10  }
0x32: {  	s10 =	sld [smem:$0x3FAF];
	_ =	sdelay $0x3  }
0x33: {  	p0 =	seq.s32 s10, $0x1;
	s10 =	sld [smem:$0x3FB1];
	_ =	sdelay $0x3  }
0x34: {  	[smem:$0x3FB1] =	sst s10  }
0x35: {  	s10 =	sld [smem:$0x3FB0];
	_ =	sdelay $0x3  }
0x36: {  	p1 =	seq.s32 s10, $0x1;
	s10 =	sld [smem:$0x3FB1];
	_ =	sdelay $0x3  }
0x37: {  	[smem:$0x3FB1] =	sst s10  }
0x38: {  	s10 =	sld [smem:$0x3FB2]  }
0x39: {  	_ = 	snop;
	(pc) =	sbr.ind lr, $3  }
0x3a: {  	_ = 	snop  }
0x3b: {  	_ = 	snop  }
0x3c: {  	p2 =	seq.s32 s10, $0x1;
	s10 =	sld [smem:$0x3FB1]  }
0x3d: {  	_ =	shalt  }
0x3e: {  	_ =	shalt  }
0x3f: {  	_ =	shalt  }
0x40: {  	_ =	shalt  }
0x41: {  	_ =	shalt  }
0x42: {  	_ =	shalt  }
0x43: {  	_ =	shalt  }
0x44: {  	_ =	shalt  }
0x45: {  	_ =	shalt  }
0x46: {  	_ =	shalt  }
0x47: {  	_ =	shalt  }
0x48: {  	_ =	shalt  }
0x49: {  	_ =	shalt  }
0x4a: {  	_ =	shalt  }
0x4b: {  	_ =	shalt  }
0x4c: {  	_ =	shalt  }
0x4d: {  	_ =	shalt  }
0x4e: {  	_ =	shalt  }
0x4f: {  	_ =	shalt  }
0x50: {  	_ =	shalt  }
0x51: {  	_ =	shalt  }
0x52: {  	_ =	shalt  }
0x53: {  	_ =	shalt  }
0x54: {  	_ =	shalt  }
0x55: {  	_ =	shalt  }
0x56: {  	_ =	shalt  }
0x57: {  	_ =	shalt  }
0x58: {  	_ =	shalt  }
0x59: {  	_ =	shalt  }
0x5a: {  	_ =	shalt  }
0x5b: {  	_ =	shalt  }
0x5c: {  	_ =	shalt  }
0x5d: {  	_ =	shalt  }
0x5e: {  	_ =	shalt  }
0x5f: {  	_ =	shalt  }
0x60: {  	_ =	shalt  }
0x61: {  	_ =	shalt  }
0x62: {  	_ =	shalt  }
0x63: {  	_ =	shalt  }
0x64: {  	_ =	shalt  }
0x65: {  	_ =	shalt  }
0x66: {  	_ =	shalt  }
0x67: {  	_ =	shalt  }
0x68: {  	_ =	shalt  }
0x69: {  	_ =	shalt  }
0x6a: {  	_ =	shalt  }
0x6b: {  	_ =	shalt  }
0x6c: {  	_ =	shalt  }
0x6d: {  	_ =	shalt  }
0x6e: {  	_ =	shalt  }
0x6f: {  	_ =	shalt  }
0x70: {  	_ =	shalt  }
0x71: {  	_ =	shalt  }
0x72: {  	_ =	shalt  }
0x73: {  	_ =	shalt  }
0x74: {  	_ =	shalt  }
0x75: {  	_ =	shalt  }
0x76: {  	_ =	shalt  }
0x77: {  	_ =	shalt  }
0x78: {  	_ =	shalt  }
0x79: {  	_ =	shalt  }
0x7a: {  	_ =	shalt  }
0x7b: {  	_ =	shalt  }
0x7c: {  	_ =	shalt  }
0x7d: {  	_ =	shalt  }
0x7e: {  	_ =	shalt  }
0x7f: {  	_ =	shalt  }
0x80: {  	_ =	shalt  }
0x81: {  	_ =	shalt  }
0x82: {  	_ =	shalt  }
0x83: {  	_ =	shalt  }
0x84: {  	_ =	shalt  }
0x85: {  	_ =	shalt  }
0x86: {  	_ =	shalt  }
0x87: {  	_ =	shalt  }
.Lfunc_end0:
.L_simem_size_0:
called_computation_lowered:
.L_overlay_start_0:
0x88: {  	s2 =	sld [smem:$0x3FD9]  }
0x89: {  	s3 =	sld [smem:$0x3FFE];
	_ =	sdelay $0x1  }
0x8a: {  	s1 =	srdreg.scid  }
0x8b: {  	s0 =	sand.u32 $0x1, s1  }
0x8c: {  	s16 =	sshll.u32 s0, $0xA;
	s2 =	sadd.s32 s3, s2  }
0x8d: {  	s2 =	sadd.s32 s2, s16  }
0x8e: {  	[smem:$0x3FBD] =	sst s2  }
0x8f: {  	_ = 	snop  }
0x90: {  	(tm) =	ssettm $0x1  }
0x91: {  	s17 =	sld [smem:$0x3FFB];
	_ =	sdelay $0x3  }
0x92: {  	_ =	strace s17  }
0x93: {  	s2 =	sld [smem:$0x3FFC];
	_ =	sdelay $0x3  }
0x94: {  	_ =	strace s2  }
0x95: {  	s2 =	sld [smem:$0x3FFD];
	_ =	sdelay $0x3  }
0x96: {  	_ =	strace s2  }
0x97: {  	_ =	strace $0x8FFFFFFF  }
0x98: {  	s18 =	sld [smem:$0x3FDB];
	_ =	sdelay $0x1  }
0x99: {  	s19 =	simm.s32 $_scs_section_size  }
0x9a: {  	s4 =	simm.s32 $_size__tile_overlayer_lowered;
	s5 =	simm.s32 $_tile_overlayer_lowered  }
0x9b: {  	s22 =	simm.s32 $0x1BFF;
	s21 =	sshll.u32 s5, $0x1;
	s2 =	sadd.s32 s19, s18  }
0x9c: {  	s6 =	simm.s32 $0x0;
	s20 =	sshll.u32 s4, $0x1;
	s4 =	sadd.s32 s21, s2  }
0x9d: {  	[timem:s6], [sflag:s22] =	dma.local [hbm:s4], s20  }
0x9e: {  	_ =	swait.ge [sflag:s22], s20  }
0x9f: {  	s3 =	ssub.s32 $0x0, s20;
	[sflag:s22] =	ssyncset.done $0x0  }
0xa0: {  	[sflag:s22] =	ssyncadd.s32 s3;
	_ =	sdelay $0x1  }
0xa1: {  	s23 =	simm.s32 $0x1B8B  }
0xa2: {  	_ =	swait.ge [sflag:s23], $0x1  }
0xa3: {  	[sflag:s23] =	ssyncset.done $0x0  }
0xa4: {  	s25 =	simm.s32 $0x1B8E;
	s24 =	sld [smem:$0x3FFE];
	[sflag:s23] =	ssyncadd.s32 $0xFFFFFFFF  }
0xa5: {  	s26 =	simm.s32 $execute0_lowered;
	[smem:$0x3FD2] =	sst s25  }
0xa6: {  	s4 =	sshll.u32 s26, $0x1;
	_ =	strace $0x80000046;
	[dreg:$0x1] =	wrdreg $0xFFFFFFFF  }
0xa7: {  	s28 =	simm.s32 $_size_execute0_lowered;
	s2 =	sadd.s32 s2, s4;
	[dreg:$0x0] =	wrdreg $0x0  }
0xa8: {  	s4 =	sshll.u32 s28, $0x1;
	[dreg:$0x2] =	wrdreg s2  }
0xa9: {  	[dreg:$0x3] =	wrdreg s4  }
0xaa: {  	[dreg:$0x4] =	wrdreg $0xC0  }
0xab: {  	_ =	task [dreg:s6], $0x5FFFF  }
0xac: {  	[dreg:$0x1] =	wrdreg $0xFFFFFFFF  }
0xad: {  	[dreg:$0x0] =	wrdreg $0x60  }
0xae: {  	[dreg:$0x2] =	wrdreg s24  }
0xaf: {  	[dreg:$0x3] =	wrdreg $0x9  }
0xb0: {  	_ =	task.clear_ibuf [dreg:s6], $0x4FFFF;
	_ =	strace $0x90000046  }
0xb1: {  	s29 =	simm.s32 $0x9;
	_ =	strace $0x80000048  }
0xb2: {  	_ =	swait.ge [sflag:s29], $0x1  }
0xb3: {  	[sflag:s29] =	ssyncadd.s32 $0xFFFFFFFF  }
0xb4: {  	_ =	strace $0x90000048  }
0xb5: {  	_ =	sfence  }
0xb6: {  	s30 =	sld [smem:$0x0];
	_ =	sdelay $0x2  }
0xb7: {  	s31 =	sshll.u32 s1, $0xD;
	s1 =	sshrl.u32 s1, $0x2  }
0xb8: {  	s3 =	sand.u32 $0x4000, s31;
	s1 =	sadd.s32 s1, s30  }
0xb9: {  	s0 =	sor.u32 s3, s0;
	s1 =	sshll.u32 s1, $0x11  }
0xba: {  	s0 =	sor.u32 s1, s0  }
0xbb: {  	s0 =	sadd.s32 $0x8F2B, s0  }
0xbc: {  	[sflag:s0] =	ssyncadd.remote.s32 $0x1  }
0xbd: {  	_ =	sfence.sel $0xFFFF  }
0xbe: {  	[dreg:$0x0] =	wrdreg $0xFFFFFFFF;
	(pc) =	sbr.abs _section_cstart, $3  }
0xbf: {  	[dreg:$0x1] =	wrdreg $0xFFFFFFFF  }
0xc0: {  	_ =	task.clear_ibuf [dreg:s6], $0x2FFFF;
	_ =	strace $0x9FFFFFFF  }
0xc1: {  	(tm) =	ssettm $0x7FFFFFFF  }
tec
execute0_lowered:
.L_overlay_start_1:
0x0: {  	(tag) =	ssettag $0x1  }
0x1: {  	s0 =	srdreg.scid  }
0x2: {  	s3 =	sand.u32 $0x1, s0  }
0x3: {  	s4 =	rddreg [dreg:$0x0];
	s0 =	stileid.u32;
	s1 =	sshll.u32 s3, $0x4  }
0x4: {  	s2 =	simm.s32 $0x0;
	s8 =	simm.s32 $0x80;
	s5 =	sor.u32 s0, s1  }
0x5: {  	s9 =	simm.s32 $0x400;
	[smem:$0x7FF] =	sst s2;
	s6 =	sshrl.u32 s5, $0x3  }
0x6: {  	s7 =	sshll.u32 s0, $0x7;
	s3 =	ssub.s32 $0x2, s3;
	s6 =	smul.u32 $0x14000, s6  }
0x7: {  	s1 =	rddreg [dreg:$0x1];
	s7 =	sand.u32 $0x380, s7;
	s5 =	smul.u32 $0x500, s5  }
0x8: {  	_ =	strace $0x80000047;
	s30 =	sshrl.u32 s3, $0x1;
	s6 =	sor.u32 s7, s6  }
0x9: {  	s31 =	ssub.s32 s3, s30;
	s5 =	sadd.s32 s5, s4;
	s6 =	sshrl.u32 s6, $0x3  }
0xa: {  	s3 =	sadd.s32 $0xBE00, s5;
	s5 =	smax.u32 s31, $0x1;
	s4 =	sadd.s32 s6, s4  }
0xb: {  	v0 =	vimm.f32 $0.0e+00;
	v1 =	vimm.f32 $1.000000000e+00;
	s7 =	simm.s32 $0x2800;
	s6 =	simm.s32 $0x1;
	s4 =	sadd.s32 $0x15E00, s4  }
.LBB2_1:
0xc: {  	s10 =	simm.s32 $0x40;
	s11 =	simm.s32 $0x0  }
.LBB2_2:
0xd: {  	p0 =	sne.s32 s10, $0x9FC0;
	[tilespmem:s11+$0x2800] =	vst v0;
	s11 =	smov.u32 s10;
	s10 =	sadd.s32 $0x40, s10  }
.Ltmp0:
0xe: {  	(pc) =	sbr.rel @p0 .LBB2_2-.Ltmp0, $2  }
0xf: {  	_ =	sdelay $0x2  }
0x10: {  	s11 =	sshra.s32 s11, $0x2  }
0x11: {  	[tilespmem:s11+$0x2800] =	vst v0;
	s10 =	simm.s32 $0x0  }
0x12: {  	[tilespmem:s10], [sflag:$0x1] =	stream.linear.gather [hbm4b:s3+s10], $0x2800, $0x38;
	[tilespmem:$0x5000] =	vst v63  }
0x13: {  	_ =	swait.ge [sflag:s6], $0x2800  }
0x14: {  	[sflag:s6] =	ssyncset.done $0x0  }
0x15: {  	s11 =	simm.s32 $0x0;
	s10 =	simm.s32 $0x40;
	[sflag:s6] =	ssyncadd.s32 $0xFFFFD800  }
.LBB2_4:
0x16: {  	p0 =	sne.s32 s10, $0x9FC0;
	v2 =	vld [tilespmem:s11+$0x0];
	_ =	sdelay $0x3  }
.Ltmp1:
0x17: {  	(pc) =	sbr.rel @p0 .LBB2_4-.Ltmp1, $2  }
0x18: {  	_ =	sdelay $0x2  }
0x19: {  	s11 =	sshra.s32 s10, $0x2;
	s10 =	sadd.s32 $0x40, s10;
	[tilespmem:v2+s7+$0x0] =	vst.idx.add.f32.msk $0xffff, v1  }
0x1a: {  	v2 =	vld [tilespmem:s11+$0x0];
	_ =	sdelay $0x5  }
0x1b: {  	s2 =	sadd.s32 $0x1, s2  }
0x1c: {  	p0 =	sne.s32 s2, s5  }
.Ltmp2:
0x1d: {  	[tilespmem:v2+s7+$0x0] =	vst.idx.add.f32.msk $0xffff, v1;
	(pc) =	sbr.rel @p0 .LBB2_1-.Ltmp2, $4  }
0x1e: {  	[hbm4b:s4+s8] =	stream.strided.scatter [tilespmem:s7], [sflag:$0x1], $0x2800, s9, s8, $0x38;
	[tilespmem:$0x5000] =	vst v63  }
0x1f: {  	_ =	swait.ge [sflag:s6], $0x2800  }
0x20: {  	[sflag:s6] =	ssyncset.done $0x0  }
0x21: {  	[sflag:s6] =	ssyncadd.s32 $0xFFFFD800  }
0x22: {  	_ =	sfence.sel $0x180000  }
0x23: {  	[bflag:$0x0] =	sbarrier.arrive $0xFFFF  }
0x24: {  	p0 =	sne.s32 s0, $0x0;
	_ =	strace $0x90000047  }
0x25: {  	s0 =	sadd.s32 @!p0 $0x100000, s1;
	[bflag:$0x2] =	sbarrier.arrive $0xFFFF  }
0x26: {  	[sflag:s0] =	ssyncadd.tile.s32 @!p0 $0x1;
	_ =	shalt  }
.Lfunc_end2:
_tile_overlayer_lowered:
.L_overlay_start_2:
0x27: {  	(tag) =	ssettag $0x2  }
0x28: {  	s0 =	rddreg [dreg:$0x0];
	s2 =	stileid.u32  }
0x29: {  	s1 =	rddreg [dreg:$0x1];
	p0 =	sne.s32 s2, $0x0  }
0x2a: {  	s3 =	rddreg [dreg:$0x2];
	[bflag:$0x3] =	sbarrier.arrive $0xFFFF;
	s2 =	simm.s32 @!p0 $0x1C01  }
0x2b: {  	[timem:s3], [sflag:s2] =	dma.local @!p0 [hbm:s0], s1  }
0x2c: {  	s0 =	simm.s32 @!p0 $0x1  }
0x2d: {  	_ =	swait.ge @!p0 [sflag:s0], s1  }
0x2e: {  	s1 =	ssub.s32 @!p0 $0x0, s1;
	[sflag:s0] =	ssyncset.done @!p0 $0x0  }
0x2f: {  	[sflag:s0] =	ssyncadd.s32 @!p0 s1  }
0x30: {  	[bflag:$0x3] =	sbarrier.arrive $0xFFFF  }
0x31: {  	_ =	shalt  }

// kernel: kernel.9.cloned.1.call-start
scs
__scs_entry_jumppad:
0x0: {  	(pc) =	sbr.rel $0x88, $3  }
0x1: {  	(tag) =	ssettag $0x0;
	lr =	simm.s32 $0x1  }
0x2: {  	[smem:$0x3F96] =	sst lr;
	_ =	strace $0xD0000000  }
0x3: {  	_ = 	snop  }
0x4: {  	_ = 	snop  }
0x5: {  	_ = 	snop  }
0x6: {  	_ = 	snop  }
0x7: {  	_ = 	snop  }
__scs_overlays_trampoline_lowered:
0x8: {  	[smem:$0x3FA5] =	sst s0  }
0x9: {  	[smem:$0x3FA6] =	sst s1  }
0xa: {  	[smem:$0x3FA7] =	sst s2  }
0xb: {  	[smem:$0x3FA8] =	sst s3  }
0xc: {  	[smem:$0x3FA9] =	sst s4  }
0xd: {  	[smem:$0x3FAA] =	sst s5  }
0xe: {  	[smem:$0x3FAB] =	sst s6  }
0xf: {  	[smem:$0x3FAC] =	sst s7  }
0x10: {  	[smem:$0x3FAD] =	sst s8  }
0x11: {  	[smem:$0x3FAE] =	sst s9;
	s0 =	simm.s32 @!p0 $0x0  }
0x12: {  	s1 =	sld [smem:$0x3F94];
	s0 =	simm.s32 @p0 $0x1  }
0x13: {  	[smem:$0x3FAF] =	sst s0;
	s0 =	simm.s32 @!p1 $0x0  }
0x14: {  	s2 =	sld [smem:$0x3F93];
	s0 =	simm.s32 @p1 $0x1  }
0x15: {  	[smem:$0x3FB0] =	sst s0;
	s0 =	simm.s32 @!p2 $0x0  }
0x16: {  	s3 =	sld [smem:$0x3FDB];
	s0 =	simm.s32 @p2 $0x1  }
0x17: {  	s4 =	simm.s32 $0x1BF5;
	[smem:$0x3FB2] =	sst s0  }
0x18: {  	s0 =	sld [smem:$0x3F95];
	_ =	swait.ge [sflag:s4], $0x0  }
0x19: {  	s7 =	sld [smem:$0x3F96]  }
0x1a: {  	s8 =	sadd.s32 $0xFFFFE003, lr  }
0x1b: {  	s9 =	sadd.s32 $0xFFFFFEF7, lr;
	s5 =	simm.s32 $0xFFFFFFFF;
	p2 =	slt.u32 s8, $0xFFFFF086  }
0x1c: {  	p1 =	slt.u32 s9, $0xF7A;
	s5 =	simm.s32 @!p2 $0x0  }
0x1d: {  	s5 =	simm.s32 @p1 $0x1;
	p0 =	seq.s32 s7, s2  }
0x1e: {  	s7 =	smul.u32 @!p0 $0xF7A, s2;
	p2 =	seq.s32 @!p0 s5, $0x0  }
0x1f: {  	s9 =	smul.u32 $0xF7A, s1;
	s8 =	simm.s32 @!p0 $0x1BF5;
	p2 =	por !p2, p0  }
0x20: {  	[sflag:s8] =	ssyncset.s32 @!p0 $0xFFFFF086;
	s6 =	sadd.s32 @!p0 s3, s7;
	s7 =	simm.s32 @!p0 $0x108  }
0x21: {  	s3 =	sadd.s32 s3, s9;
	s6 =	sadd.s32 @!p0 $0x88, s6;
	s7 =	simm.s32 @p2 $0x1082  }
0x22: {  	[simem:s7], [sflag:s8] =	dma.local @!p0 [hbm:s6], $0xF7A  }
0x23: {  	s9 =	sor.u32 $0xD0000000, s2;
	s6 =	simm.s32 $0x108;
	_ =	swait.ge @!p0 [sflag:s8], $0x0  }
0x24: {  	s3 =	sadd.s32 $0x88, s3;
	s6 =	simm.s32 @!p1 $0x1082;
	[sflag:s4] =	ssyncset.s32 $0xFFFFF086  }
0x25: {  	[simem:s6], [sflag:s4] =	dma.local [hbm:s3], $0xF7A  }
0x26: {  	[smem:$0x3F96] =	sst s1;
	(tag) =	ssettag s2;
	_ =	strace s9  }
0x27: {  	s1 =	sld [smem:$0x3FA6]  }
0x28: {  	s2 =	sld [smem:$0x3FA7]  }
0x29: {  	s4 =	sld [smem:$0x3FA9]  }
0x2a: {  	p0 =	seq.s32 s5, $0x0;
	s5 =	sld [smem:$0x3FAA]  }
0x2b: {  	s6 =	sld [smem:$0x3FAB]  }
0x2c: {  	s7 =	sld [smem:$0x3FAC]  }
0x2d: {  	s3 =	simm.s32 $0x108;
	s8 =	sld [smem:$0x3FAD]  }
0x2e: {  	s3 =	simm.s32 @!p0 $0x1082;
	s9 =	sld [smem:$0x3FAE]  }
0x2f: {  	lr =	sadd.s32 s0, s3;
	s0 =	sld [smem:$0x3FA5]  }
0x30: {  	s3 =	sld [smem:$0x3FA8]  }
0x31: {  	[smem:$0x3FB1] =	sst s10  }
0x32: {  	s10 =	sld [smem:$0x3FAF];
	_ =	sdelay $0x3  }
0x33: {  	p0 =	seq.s32 s10, $0x1;
	s10 =	sld [smem:$0x3FB1];
	_ =	sdelay $0x3  }
0x34: {  	[smem:$0x3FB1] =	sst s10  }
0x35: {  	s10 =	sld [smem:$0x3FB0];
	_ =	sdelay $0x3  }
0x36: {  	p1 =	seq.s32 s10, $0x1;
	s10 =	sld [smem:$0x3FB1];
	_ =	sdelay $0x3  }
0x37: {  	[smem:$0x3FB1] =	sst s10  }
0x38: {  	s10 =	sld [smem:$0x3FB2]  }
0x39: {  	_ = 	snop;
	(pc) =	sbr.ind lr, $3  }
0x3a: {  	_ = 	snop  }
0x3b: {  	_ = 	snop  }
0x3c: {  	p2 =	seq.s32 s10, $0x1;
	s10 =	sld [smem:$0x3FB1]  }
0x3d: {  	_ =	shalt  }
0x3e: {  	_ =	shalt  }
0x3f: {  	_ =	shalt  }
0x40: {  	_ =	shalt  }
0x41: {  	_ =	shalt  }
0x42: {  	_ =	shalt  }
0x43: {  	_ =	shalt  }
0x44: {  	_ =	shalt  }
0x45: {  	_ =	shalt  }
0x46: {  	_ =	shalt  }
0x47: {  	_ =	shalt  }
0x48: {  	_ =	shalt  }
0x49: {  	_ =	shalt  }
0x4a: {  	_ =	shalt  }
0x4b: {  	_ =	shalt  }
0x4c: {  	_ =	shalt  }
0x4d: {  	_ =	shalt  }
0x4e: {  	_ =	shalt  }
0x4f: {  	_ =	shalt  }
0x50: {  	_ =	shalt  }
0x51: {  	_ =	shalt  }
0x52: {  	_ =	shalt  }
0x53: {  	_ =	shalt  }
0x54: {  	_ =	shalt  }
0x55: {  	_ =	shalt  }
0x56: {  	_ =	shalt  }
0x57: {  	_ =	shalt  }
0x58: {  	_ =	shalt  }
0x59: {  	_ =	shalt  }
0x5a: {  	_ =	shalt  }
0x5b: {  	_ =	shalt  }
0x5c: {  	_ =	shalt  }
0x5d: {  	_ =	shalt  }
0x5e: {  	_ =	shalt  }
0x5f: {  	_ =	shalt  }
0x60: {  	_ =	shalt  }
0x61: {  	_ =	shalt  }
0x62: {  	_ =	shalt  }
0x63: {  	_ =	shalt  }
0x64: {  	_ =	shalt  }
0x65: {  	_ =	shalt  }
0x66: {  	_ =	shalt  }
0x67: {  	_ =	shalt  }
0x68: {  	_ =	shalt  }
0x69: {  	_ =	shalt  }
0x6a: {  	_ =	shalt  }
0x6b: {  	_ =	shalt  }
0x6c: {  	_ =	shalt  }
0x6d: {  	_ =	shalt  }
0x6e: {  	_ =	shalt  }
0x6f: {  	_ =	shalt  }
0x70: {  	_ =	shalt  }
0x71: {  	_ =	shalt  }
0x72: {  	_ =	shalt  }
0x73: {  	_ =	shalt  }
0x74: {  	_ =	shalt  }
0x75: {  	_ =	shalt  }
0x76: {  	_ =	shalt  }
0x77: {  	_ =	shalt  }
0x78: {  	_ =	shalt  }
0x79: {  	_ =	shalt  }
0x7a: {  	_ =	shalt  }
0x7b: {  	_ =	shalt  }
0x7c: {  	_ =	shalt  }
0x7d: {  	_ =	shalt  }
0x7e: {  	_ =	shalt  }
0x7f: {  	_ =	shalt  }
0x80: {  	_ =	shalt  }
0x81: {  	_ =	shalt  }
0x82: {  	_ =	shalt  }
0x83: {  	_ =	shalt  }
0x84: {  	_ =	shalt  }
0x85: {  	_ =	shalt  }
0x86: {  	_ =	shalt  }
0x87: {  	_ =	shalt  }
.Lfunc_end0:
.L_simem_size_0:
called_computation.1_lowered:
.L_overlay_start_0:
0x88: {  	s2 =	sld [smem:$0x3FD9]  }
0x89: {  	s3 =	sld [smem:$0x3FFE];
	_ =	sdelay $0x1  }
0x8a: {  	s1 =	srdreg.scid  }
0x8b: {  	s0 =	sand.u32 $0x1, s1  }
0x8c: {  	s16 =	sshll.u32 s0, $0xA;
	s2 =	sadd.s32 s3, s2  }
0x8d: {  	s2 =	sadd.s32 s2, s16  }
0x8e: {  	[smem:$0x3FBD] =	sst s2  }
0x8f: {  	_ = 	snop  }
0x90: {  	(tm) =	ssettm $0x1  }
0x91: {  	s17 =	sld [smem:$0x3FFB];
	_ =	sdelay $0x3  }
0x92: {  	_ =	strace s17  }
0x93: {  	s2 =	sld [smem:$0x3FFC];
	_ =	sdelay $0x3  }
0x94: {  	_ =	strace s2  }
0x95: {  	s2 =	sld [smem:$0x3FFD];
	_ =	sdelay $0x3  }
0x96: {  	_ =	strace s2  }
0x97: {  	_ =	strace $0x8FFFFFFF  }
0x98: {  	s18 =	sld [smem:$0x3FDB];
	_ =	sdelay $0x1  }
0x99: {  	s19 =	simm.s32 $_scs_section_size  }
0x9a: {  	s4 =	simm.s32 $_size__tile_overlayer_lowered;
	s5 =	simm.s32 $_tile_overlayer_lowered  }
0x9b: {  	s22 =	simm.s32 $0x1BFF;
	s21 =	sshll.u32 s5, $0x1;
	s2 =	sadd.s32 s19, s18  }
0x9c: {  	s6 =	simm.s32 $0x0;
	s20 =	sshll.u32 s4, $0x1;
	s4 =	sadd.s32 s21, s2  }
0x9d: {  	[timem:s6], [sflag:s22] =	dma.local [hbm:s4], s20  }
0x9e: {  	_ =	swait.ge [sflag:s22], s20  }
0x9f: {  	s3 =	ssub.s32 $0x0, s20;
	[sflag:s22] =	ssyncset.done $0x0  }
0xa0: {  	[sflag:s22] =	ssyncadd.s32 s3;
	_ =	sdelay $0x1  }
0xa1: {  	s23 =	simm.s32 $0x1B8B  }
0xa2: {  	_ =	swait.ge [sflag:s23], $0x1  }
0xa3: {  	[sflag:s23] =	ssyncset.done $0x0  }
0xa4: {  	s25 =	simm.s32 $0x1B8E;
	s24 =	sld [smem:$0x3FFE];
	[sflag:s23] =	ssyncadd.s32 $0xFFFFFFFF  }
0xa5: {  	s26 =	simm.s32 $execute0_lowered;
	[smem:$0x3FD2] =	sst s25  }
0xa6: {  	s4 =	sshll.u32 s26, $0x1;
	_ =	strace $0x80000049;
	[dreg:$0x1] =	wrdreg $0xFFFFFFFF  }
0xa7: {  	s28 =	simm.s32 $_size_execute0_lowered;
	s2 =	sadd.s32 s2, s4;
	[dreg:$0x0] =	wrdreg $0x0  }
0xa8: {  	s4 =	sshll.u32 s28, $0x1;
	[dreg:$0x2] =	wrdreg s2  }
0xa9: {  	[dreg:$0x3] =	wrdreg s4  }
0xaa: {  	[dreg:$0x4] =	wrdreg $0xC0  }
0xab: {  	_ =	task [dreg:s6], $0x5FFFF  }
0xac: {  	[dreg:$0x1] =	wrdreg $0xFFFFFFFF  }
0xad: {  	[dreg:$0x0] =	wrdreg $0x60  }
0xae: {  	[dreg:$0x2] =	wrdreg s24  }
0xaf: {  	[dreg:$0x3] =	wrdreg $0xA9000  }
0xb0: {  	[dreg:$0x4] =	wrdreg $0x9  }
0xb1: {  	_ =	task.clear_ibuf [dreg:s6], $0x5FFFF;
	_ =	strace $0x90000049  }
0xb2: {  	s29 =	simm.s32 $0x9;
	_ =	strace $0x8000004B  }
0xb3: {  	_ =	swait.ge [sflag:s29], $0x1  }
0xb4: {  	[sflag:s29] =	ssyncadd.s32 $0xFFFFFFFF  }
0xb5: {  	_ =	strace $0x9000004B  }
0xb6: {  	_ =	sfence  }
0xb7: {  	s30 =	sld [smem:$0x0];
	_ =	sdelay $0x2  }
0xb8: {  	s31 =	sshll.u32 s1, $0xD;
	s1 =	sshrl.u32 s1, $0x2  }
0xb9: {  	s3 =	sand.u32 $0x4000, s31;
	s1 =	sadd.s32 s1, s30  }
0xba: {  	s0 =	sor.u32 s3, s0;
	s1 =	sshll.u32 s1, $0x11  }
0xbb: {  	s0 =	sor.u32 s1, s0  }
0xbc: {  	s0 =	sadd.s32 $0x8F2B, s0  }
0xbd: {  	[sflag:s0] =	ssyncadd.remote.s32 $0x1  }
0xbe: {  	_ =	sfence.sel $0xFFFF  }
0xbf: {  	[dreg:$0x0] =	wrdreg $0xFFFFFFFF;
	(pc) =	sbr.abs _section_cstart, $3  }
0xc0: {  	[dreg:$0x1] =	wrdreg $0xFFFFFFFF  }
0xc1: {  	_ =	task.clear_ibuf [dreg:s6], $0x2FFFF;
	_ =	strace $0x9FFFFFFF  }
0xc2: {  	(tm) =	ssettm $0x7FFFFFFF  }
0xc3: {  	_ =	shalt  }
tec
execute0_lowered:
.L_overlay_start_1:
0x0: {  	(tag) =	ssettag $0x1  }
0x1: {  	s0 =	srdreg.scid;
	s5 =	rddreg [dreg:$0x0]  }
0x2: {  	s2 =	rddreg [dreg:$0x1];
	s3 =	simm.s32 $0x0;
	s17 =	simm.s32 $0x80  }
0x3: {  	s18 =	simm.s32 $0x2900;
	s19 =	simm.s32 $0x6900;
	s20 =	simm.s32 $0x1  }
0x4: {  	s21 =	simm.s32 $0x3;
	s6 =	sand.u32 $0x1, s0;
	s0 =	stileid.u32  }
0x5: {  	s22 =	simm.s32 $0x2;
	s23 =	simm.s32 $0x4;
	s8 =	smul.u32 $0x2800, s0  }
0x6: {  	s24 =	simm.s32 $0x5;
	s25 =	simm.s32 $0x6;
	s9 =	smul.u32 $0x28000, s6  }
0x7: {  	s26 =	simm.s32 $0x0;
	[smem:$0x7FF] =	sst s3;
	s11 =	smul.u32 $0x50000, s0  }
0x8: {  	s12 =	sadd.s32 $0xBE00, s5;
	s1 =	sshll.u32 s6, $0x4;
	s30 =	smul.u32 $0x5000, s6  }
0x9: {  	s14 =	ssub.s32 $0x2, s6;
	s29 =	sshll.u32 s0, $0x6;
	s31 =	smul.u32 $0x500, s0  }
0xa: {  	s4 =	sor.u32 s0, s1;
	s1 =	rddreg [dreg:$0x2];
	_ =	strace $0x8000004A  }
0xb: {  	s28 =	sshrl.u32 s14, $0x1;
	s6 =	sor.u32 $0x1C07, s29;
	s7 =	smul.u32 $0x500, s4  }
0xc: {  	s4 =	sadd.s32 $0x15E00, s5;
	s13 =	sadd.s32 s8, s5;
	s8 =	sadd.s32 s8, s9  }
0xd: {  	s11 =	sshrl.u32 s11, $0x2;
	s14 =	ssub.s32 s14, s28;
	s15 =	sadd.s32 s8, s5  }
0xe: {  	s16 =	sadd.s32 s11, s2;
	s11 =	smax.u32 s14, $0x1;
	s14 =	simm.s32 $0x7  }
0xf: {  	s10 =	sadd.s32 s7, s5;
	s5 =	sadd.s32 $0x3DE00, s13;
	s7 =	sadd.s32 s12, s7  }
0x10: {  	s12 =	sadd.s32 s30, s12;
	s13 =	sshrl.u32 s16, $0x3;
	s16 =	simm.s32 $0x2880  }
0x11: {  	s8 =	sadd.s32 $0x1E00, s10;
	s9 =	sadd.s32 $0x10, s7;
	s12 =	sadd.s32 s31, s12  }
0x12: {  	s10 =	sadd.s32 $0x65E00, s15;
	s15 =	simm.s32 $0x2800;
	s12 =	sadd.s32 $0x30, s12  }
.LBB2_1:
0x13: {  	[spmem:s13], [sflag:s6] =	dma.local [hbm:s5], $0x2800  }
0x14: {  	_ =	swait.ge [sflag:s14], $0x2800  }
0x15: {  	[sflag:s14] =	ssyncset.done $0x0  }
0x16: {  	[sflag:s14] =	ssyncadd.s32 $0xFFFFD800  }
0x17: {  	[tilespmem:s3], [sflag:$0x7] =	stream.linear.gather [hbm4b:s8+s3], $0x2800, $0x38;
	[tilespmem:$0x1E900] =	vst v63  }
0x18: {  	_ =	swait.ge [sflag:s14], $0x2800  }
0x19: {  	[sflag:s14] =	ssyncset.done $0x0  }
0x1a: {  	[sflag:s14] =	ssyncadd.s32 $0xFFFFD800  }
0x1b: {  	[bflag:$0x0] =	sbarrier.arrive $0xFFFF  }
0x1c: {  	[tilespmem:s15], [sflag:$0x3] =	stream.linear.gather [hbm4b:s7+s3], $0x80, $0x38;
	[tilespmem:$0x1E900] =	vst v63  }
0x1d: {  	_ = 	snop  }
0x1e: {  	[tilespmem:s16], [sflag:$0x4] =	stream.linear.gather [hbm4b:s9+s3], $0x80, $0x38;
	[tilespmem:$0x1E900] =	vst v63  }
0x1f: {  	_ = 	snop  }
0x20: {  	[tilespmem:s18], [sflag:$0x1] =	stream.indirect.gather [hbm4b:s4+s17], $0x80, s3, s17, $0xb8;
	[tilespmem:$0x1E900] =	vst v63  }
0x21: {  	_ = 	snop  }
0x22: {  	[tilespmem:s19], [sflag:$0x2] =	stream.indirect.gather [hbm4b:s4+s17], $0x80, s17, s17, $0xb8;
	[tilespmem:$0x1E900] =	vst v63  }
0x23: {  	_ =	swait.ge [sflag:s20], $0x4000  }
0x24: {  	[sflag:s20] =	ssyncset.done $0x0  }
0x25: {  	[sflag:s20] =	ssyncadd.s32 $0xFFFFC000  }
0x26: {  	_ =	swait.ge [sflag:s21], $0x80  }
0x27: {  	[sflag:s21] =	ssyncset.done $0x0  }
0x28: {  	[sflag:s21] =	ssyncadd.s32 $0xFFFFFF80  }
0x29: {  	[spmem:s2] =	stream.indirect.scatter.add.f32 [tilespmem:s18], [sflag:$0x5], $0x80, s15, s17, $0xb8;
	[tilespmem:$0x1E900] =	vst v63  }
0x2a: {  	_ =	swait.ge [sflag:s22], $0x4000  }
0x2b: {  	[sflag:s22] =	ssyncset.done $0x0  }
0x2c: {  	[sflag:s22] =	ssyncadd.s32 $0xFFFFC000  }
0x2d: {  	_ =	swait.ge [sflag:s23], $0x80  }
0x2e: {  	[sflag:s23] =	ssyncset.done $0x0  }
0x2f: {  	[sflag:s23] =	ssyncadd.s32 $0xFFFFFF80  }
0x30: {  	[spmem:s2] =	stream.indirect.scatter.add.f32 [tilespmem:s19], [sflag:$0x6], $0x80, s16, s17, $0xb8;
	[tilespmem:$0x1E900] =	vst v63  }
0x31: {  	_ =	swait.ge [sflag:s24], $0x4000  }
0x32: {  	[sflag:s24] =	ssyncset.done $0x0  }
0x33: {  	s28 =	sadd.s32 $0xFFFFFFF0, s12;
	[sflag:s24] =	ssyncadd.s32 $0xFFFFC000  }
0x34: {  	[tilespmem:s15], [sflag:$0x3] =	stream.linear.gather [hbm4b:s28+s3], $0x80, $0x38;
	[tilespmem:$0x1E900] =	vst v63  }
0x35: {  	s28 =	simm.s32 $0x100  }
0x36: {  	[tilespmem:s18], [sflag:$0x1] =	stream.indirect.gather [hbm4b:s4+s17], $0x80, s28, s17, $0xb8;
	[tilespmem:$0x1E900] =	vst v63  }
0x37: {  	_ =	swait.ge [sflag:s25], $0x4000  }
0x38: {  	s30 =	simm.s32 $0x180;
	[sflag:s25] =	ssyncset.done $0x0  }
0x39: {  	s29 =	sadd.s32 $0x20, s12;
	s28 =	simm.s32 $0x400;
	[sflag:s25] =	ssyncadd.s32 $0xFFFFC000  }
0x3a: {  	[tilespmem:s16], [sflag:$0x4] =	stream.linear.gather [hbm4b:s12+s3], $0x80, $0x38;
	[tilespmem:$0x1E900] =	vst v63  }
.LBB2_2:
0x3b: {  	[tilespmem:s19], [sflag:$0x2] =	stream.indirect.gather [hbm4b:s4+s17], $0x80, s30, s17, $0xb8;
	[tilespmem:$0x1E900] =	vst v63  }
0x3c: {  	s30 =	smov.u32 s28  }
0x3d: {  	p0 =	sne.s32 s28, $0x9800;
	s28 =	sadd.s32 $0x400, s28;
	_ =	swait.ge [sflag:s20], $0x4000  }
0x3e: {  	[sflag:s20] =	ssyncset.done $0x0  }
0x3f: {  	[sflag:s20] =	ssyncadd.s32 $0xFFFFC000  }
0x40: {  	_ =	swait.ge [sflag:s21], $0x80  }
0x41: {  	[sflag:s21] =	ssyncset.done $0x0  }
0x42: {  	[sflag:s21] =	ssyncadd.s32 $0xFFFFFF80  }
0x43: {  	[spmem:s2] =	stream.indirect.scatter.add.f32 [tilespmem:s18], [sflag:$0x5], $0x80, s15, s17, $0xb8;
	[tilespmem:$0x1E900] =	vst v63  }
0x44: {  	_ =	swait.ge [sflag:s22], $0x4000  }
0x45: {  	[sflag:s22] =	ssyncset.done $0x0  }
0x46: {  	[sflag:s22] =	ssyncadd.s32 $0xFFFFC000  }
0x47: {  	_ =	swait.ge [sflag:s23], $0x80  }
0x48: {  	[sflag:s23] =	ssyncset.done $0x0  }
0x49: {  	[sflag:s23] =	ssyncadd.s32 $0xFFFFFF80  }
0x4a: {  	[spmem:s2] =	stream.indirect.scatter.add.f32 [tilespmem:s19], [sflag:$0x6], $0x80, s16, s17, $0xb8;
	[tilespmem:$0x1E900] =	vst v63  }
0x4b: {  	_ =	swait.ge [sflag:s24], $0x4000  }
0x4c: {  	[sflag:s24] =	ssyncset.done $0x0  }
0x4d: {  	s31 =	sadd.s32 $0xFFFFFFF0, s29;
	s30 =	sshra.s32 s30, $0x2;
	[sflag:s24] =	ssyncadd.s32 $0xFFFFC000  }
0x4e: {  	[tilespmem:s15], [sflag:$0x3] =	stream.linear.gather [hbm4b:s31+s3], $0x80, $0x38;
	[tilespmem:$0x1E900] =	vst v63  }
0x4f: {  	s31 =	sadd.s32 $0x100, s30  }
0x50: {  	[tilespmem:s18], [sflag:$0x1] =	stream.indirect.gather [hbm4b:s4+s17], $0x80, s31, s17, $0xb8;
	[tilespmem:$0x1E900] =	vst v63  }
.Ltmp0:
0x51: {  	_ =	swait.ge [sflag:s25], $0x4000;
	(pc) =	sbr.rel @p0 .LBB2_2-.Ltmp0, $4  }
0x52: {  	[sflag:s25] =	ssyncset.done $0x0  }
0x53: {  	[sflag:s25] =	ssyncadd.s32 $0xFFFFC000  }
0x54: {  	[tilespmem:s16], [sflag:$0x4] =	stream.linear.gather [hbm4b:s29+s3], $0x80, $0x38;
	[tilespmem:$0x1E900] =	vst v63  }
0x55: {  	s30 =	sadd.s32 $0x180, s30;
	s29 =	sadd.s32 $0x20, s29  }
0x56: {  	[tilespmem:s19], [sflag:$0x2] =	stream.indirect.gather [hbm4b:s4+s17], $0x80, s30, s17, $0xb8;
	[tilespmem:$0x1E900] =	vst v63  }
0x57: {  	_ =	swait.ge [sflag:s20], $0x4000  }
0x58: {  	[sflag:s20] =	ssyncset.done $0x0  }
0x59: {  	[sflag:s20] =	ssyncadd.s32 $0xFFFFC000  }
0x5a: {  	_ =	swait.ge [sflag:s21], $0x80  }
0x5b: {  	[sflag:s21] =	ssyncset.done $0x0  }
0x5c: {  	[sflag:s21] =	ssyncadd.s32 $0xFFFFFF80  }
0x5d: {  	[spmem:s2] =	stream.indirect.scatter.add.f32 [tilespmem:s18], [sflag:$0x5], $0x80, s15, s17, $0xb8;
	[tilespmem:$0x1E900] =	vst v63  }
0x5e: {  	_ =	swait.ge [sflag:s22], $0x4000  }
0x5f: {  	[sflag:s22] =	ssyncset.done $0x0  }
0x60: {  	[sflag:s22] =	ssyncadd.s32 $0xFFFFC000  }
0x61: {  	_ =	swait.ge [sflag:s23], $0x80  }
0x62: {  	[sflag:s23] =	ssyncset.done $0x0  }
0x63: {  	[sflag:s23] =	ssyncadd.s32 $0xFFFFFF80  }
0x64: {  	[spmem:s2] =	stream.indirect.scatter.add.f32 [tilespmem:s19], [sflag:$0x6], $0x80, s16, s17, $0xb8;
	[tilespmem:$0x1E900] =	vst v63  }
0x65: {  	_ =	swait.ge [sflag:s24], $0x4000  }
0x66: {  	[sflag:s24] =	ssyncset.done $0x0  }
0x67: {  	[sflag:s24] =	ssyncadd.s32 $0xFFFFC000  }
0x68: {  	_ =	swait.ge [sflag:s25], $0x4000  }
0x69: {  	s26 =	sadd.s32 $0x1, s26;
	[sflag:s25] =	ssyncset.done $0x0  }
0x6a: {  	p0 =	sne.s32 s26, s11;
	[sflag:s25] =	ssyncadd.s32 $0xFFFFC000  }
.Ltmp1:
0x6b: {  	[bflag:$0x0] =	sbarrier.arrive $0xFFFF;
	(pc) =	sbr.rel @p0 .LBB2_1-.Ltmp1, $4  }
0x6c: {  	[hbm:s10], [sflag:s6] =	dma.local [spmem:s13], $0x2800  }
0x6d: {  	_ =	swait.ge [sflag:s14], $0x2800  }
0x6e: {  	[sflag:s14] =	ssyncset.done $0x0  }
0x6f: {  	[sflag:s14] =	ssyncadd.s32 $0xFFFFD800  }
0x70: {  	_ =	sfence.sel $0x180000  }
0x71: {  	[bflag:$0x0] =	sbarrier.arrive $0xFFFF  }
0x72: {  	p0 =	sne.s32 s0, $0x0;
	_ =	strace $0x9000004A  }
0x73: {  	s0 =	sadd.s32 @!p0 $0x100000, s1;
	[bflag:$0x2] =	sbarrier.arrive $0xFFFF  }
0x74: {  	[sflag:s0] =	ssyncadd.tile.s32 @!p0 $0x1;
	_ =	shalt  }
.Lfunc_end2:
_tile_overlayer_lowered:
.L_overlay_start_2:
0x75: {  	(tag) =	ssettag $0x2  }
0x76: {  	s0 =	rddreg [dreg:$0x0];
	s2 =	stileid.u32  }
0x77: {  	s1 =	rddreg [dreg:$0x1];
	p0 =	sne.s32 s2, $0x0  }
0x78: {  	s3 =	rddreg [dreg:$0x2];
	[bflag:$0x3] =	sbarrier.arrive $0xFFFF;
	s2 =	simm.s32 @!p0 $0x1C07  }
0x79: {  	[timem:s3], [sflag:s2] =	dma.local @!p0 [hbm:s0], s1  }
0x7a: {  	s0 =	simm.s32 @!p0 $0x7  }
0x7b: {  	_ =	swait.ge @!p0 [sflag:s0], s1  }
0x7c: {  	s1 =	ssub.s32 @!p0 $0x0, s1;
	[sflag:s0] =	ssyncset.done @!p0 $0x0  }
0x7d: {  	[sflag:s0] =	ssyncadd.s32 @!p0 s1  }
0x7e: {  	[bflag:$0x3] =	sbarrier.arrive $0xFFFF  }
0x7f: {  	_ =	shalt  }

</sc_bundles>
